<compile_context>
chip_gen: v7x
topology: tpu7x:2x2x1
jax: 0.10.2.dev20260603
libtpu: 0.0.44.dev20260713+nightly
codegen_flags: <defaults>
</compile_context>

<pallas_src>
import functools

import jax
import jax.numpy as jnp
from jax import lax
from jax.experimental import pallas as pl
from jax.experimental.pallas import tpu as pltpu
from jax.experimental.pallas import tpu_sc as plsc

_B = 16384
_D = 64
_V = 100000
_CH = 4096


def _make_gather():
    info = plsc.get_sparse_core_info()
    num_cores = info.num_cores
    nw = num_cores * info.num_subcores
    d_per_w = _D // nw
    n_chunks = _B // _CH
    mesh = plsc.VectorSubcoreMesh(core_axis_name="c", subcore_axis_name="s")

    @functools.partial(
        pl.kernel,
        mesh=mesh,
        out_type=jax.ShapeDtypeStruct((_D, _B), jnp.float32),
        scratch_types=[
            pltpu.VMEM((_V,), jnp.float32),
            pltpu.VMEM((_B,), jnp.int32),
            pltpu.VMEM((_CH,), jnp.float32),
            pltpu.VMEM((_CH,), jnp.float32),
            pltpu.SemaphoreType.DMA,
            pltpu.SemaphoreType.DMA,
            pltpu.SemaphoreType.DMA,
            pltpu.SemaphoreType.DMA,
        ],
        compiler_params=pltpu.CompilerParams(
            needs_layout_passes=False,
            disable_bounds_checks=True,
            disable_semaphore_checks=True,
        ),
    )
    def gather_kernel(
        embT_hbm, idx_hbm, outT_hbm, row_v, idx_v, out_a, out_b, sem_row,
        sem_idx, sem_out_a, sem_out_b
    ):
        out_sems = (sem_out_a, sem_out_b)
        wid = lax.axis_index("s") * num_cores + lax.axis_index("c")
        idx_cp = pltpu.async_copy(idx_hbm, idx_v, sem_idx)
        bufs = (out_a, out_b)
        pending = [None, None]
        for rep in range(d_per_w):
            d = wid + rep * nw
            row_cp = pltpu.async_copy(embT_hbm.at[d], row_v, sem_row)
            if rep == 0:
                idx_cp.wait()
            row_cp.wait()
            for c in range(n_chunks):
                b = c % 2
                buf = bufs[b]
                if pending[b] is not None:
                    pending[b].wait()

                @plsc.parallel_loop(0, _CH // 16, unroll=8)
                def _(j, c=c, buf=buf):
                    iv = idx_v[pl.ds(c * _CH + j * 16, 16)]
                    buf[pl.ds(j * 16, 16)] = plsc.load_gather(row_v, [iv])

                pending[b] = pltpu.async_copy(
                    buf, outT_hbm.at[d, pl.ds(c * _CH, _CH)], out_sems[b]
                )
        for p in pending:
            if p is not None:
                p.wait()

    return gather_kernel


_gather = _make_gather()


def kernel(emb, token_index):
    outT = _gather(emb.T, token_index.astype(jnp.int32))
    return outT.T

# --- scband reference (transcript-rebuilt; emitter-appended) ---
"""Pipeline reference for scband-static-graph-embedding-14267881357647 (READ-ONLY COPY).

The authoritative reference and input builder live on the scoring server;
editing this copy changes nothing except your own understanding.
"""

import jax, jax.numpy as jnp
import numpy as np

N_TOKENS = 100000
EMB_SIZE = 64
BATCH = 16384

def setup_inputs(seed: int = 0) -> dict:
    key = jax.random.key(seed)
    k_idx, k_emb = jax.random.split(key)
    token_index = jax.random.randint(k_idx, (BATCH,), 0, N_TOKENS, dtype=jnp.int64) if jax.config.jax_enable_x64 else jax.random.randint(k_idx, (BATCH,), 0, N_TOKENS, dtype=jnp.int32)
    # 'uniform' initializer in the torch module: U(-1/sqrt(emb_size), 1/sqrt(emb_size))
    bound = 1.0 / np.sqrt(EMB_SIZE)
    emb = jax.random.uniform(k_emb, (N_TOKENS, EMB_SIZE), dtype=jnp.float32, minval=-bound, maxval=bound)
    return {"emb": emb, "token_index": token_index}

def reference(emb, token_index):
    # StaticGraphEmbedding.forward with expand=None, tokens_first=True:
    #   emb = self.emb[token_index]; return emb
    out = jnp.take(emb, token_index, axis=0)
    return out

if __name__ == "__main__":
    import jax
    _d = setup_inputs()
    print(jax.jit(kernel)(*tuple(_d.values())))

</pallas_src>

<mosaic_0001>
#map = affine_map<(d0, d1) -> (0, 0)>
#map1 = affine_map<(d0, d1) -> (0)>
module attributes {stable_mosaic.version = 14 : i64} {
  func.func @gather_kernel(%arg0: i32, %arg1: i32, %arg2: memref<64x100000xf32, #tpu.memory_space<hbm>>, %arg3: memref<16384xi32, #tpu.memory_space<hbm>>, %arg4: memref<64x16384xf32, #tpu.memory_space<hbm>>, %arg5: memref<100000xf32, #tpu.memory_space<vmem>>, %arg6: memref<16384xi32, #tpu.memory_space<vmem>>, %arg7: memref<4096xf32, #tpu.memory_space<vmem>>, %arg8: memref<4096xf32, #tpu.memory_space<vmem>>, %arg9: memref<!tpu.dma_semaphore, #tpu.memory_space<semaphore_mem>>, %arg10: memref<!tpu.dma_semaphore, #tpu.memory_space<semaphore_mem>>, %arg11: memref<!tpu.dma_semaphore, #tpu.memory_space<semaphore_mem>>, %arg12: memref<!tpu.dma_semaphore, #tpu.memory_space<semaphore_mem>>) attributes {dimension_semantics = [#tpu.dimension_semantics<core_parallel>, #tpu.dimension_semantics<subcore_parallel>], iteration_bounds = array<i64: 2, 16>, scalar_prefetch = 0 : i64, scratch_operands = 8 : i64, tpu.core_type = #tpu.core_type<sc_vector_subcore>, window_params = [{transform_indices = #map}, {transform_indices = #map1}, {transform_indices = #map}]} {
    %mul3A = arith.constant 2 : i32
    %mul3A_0 = arith.muli %arg1, %mul3A : i32
    %add3A = arith.addi %mul3A_0, %arg0 : i32
    tpu.enqueue_dma source(%arg3 : memref<16384xi32, #tpu.memory_space<hbm>>) target(%arg6 : memref<16384xi32, #tpu.memory_space<vmem>>) target_semaphore(%arg10 : memref<!tpu.dma_semaphore, #tpu.memory_space<semaphore_mem>>)
    %add3A_1 = arith.constant 0 : i32
    %add3A_2 = arith.addi %add3A, %add3A_1 : i32
    %dma_start3A = arith.constant 0 : i32
    %dma_start3A_3 = tpu.memref_slice %arg2[%add3A_2, %dma_start3A] : memref<64x100000xf32, #tpu.memory_space<hbm>> -> memref<1x100000xf32, #tpu.memory_space<hbm>>
    %dma_start3A_4 = tpu.memref_squeeze %dma_start3A_3 : memref<1x100000xf32, #tpu.memory_space<hbm>> -> memref<100000xf32, #tpu.memory_space<hbm>>
    %dma_start3A_5 = arith.constant 0 : i32
    %dma_start3A_6 = tpu.memref_slice %arg2[%add3A_2, %dma_start3A_5] : memref<64x100000xf32, #tpu.memory_space<hbm>> -> memref<1x100000xf32, #tpu.memory_space<hbm>>
    %dma_start3A_7 = tpu.memref_squeeze %dma_start3A_6 : memref<1x100000xf32, #tpu.memory_space<hbm>> -> memref<100000xf32, #tpu.memory_space<hbm>>
    tpu.enqueue_dma source(%dma_start3A_7 : memref<100000xf32, #tpu.memory_space<hbm>>) target(%arg5 : memref<100000xf32, #tpu.memory_space<vmem>>) target_semaphore(%arg9 : memref<!tpu.dma_semaphore, #tpu.memory_space<semaphore_mem>>)
    tpu.wait_dma2 semaphore(%arg10 : memref<!tpu.dma_semaphore, #tpu.memory_space<semaphore_mem>>) src(%arg3 : memref<16384xi32, #tpu.memory_space<hbm>>) dst(%arg6 : memref<16384xi32, #tpu.memory_space<vmem>>)
    %dma_wait3A = arith.constant 0 : i32
    %dma_wait3A_8 = tpu.memref_slice %arg2[%add3A_2, %dma_wait3A] : memref<64x100000xf32, #tpu.memory_space<hbm>> -> memref<1x100000xf32, #tpu.memory_space<hbm>>
    %dma_wait3A_9 = tpu.memref_squeeze %dma_wait3A_8 : memref<1x100000xf32, #tpu.memory_space<hbm>> -> memref<100000xf32, #tpu.memory_space<hbm>>
    %dma_wait3A_10 = arith.constant 0 : i32
    %dma_wait3A_11 = tpu.memref_slice %arg2[%add3A_2, %dma_wait3A_10] : memref<64x100000xf32, #tpu.memory_space<hbm>> -> memref<1x100000xf32, #tpu.memory_space<hbm>>
    %dma_wait3A_12 = tpu.memref_squeeze %dma_wait3A_11 : memref<1x100000xf32, #tpu.memory_space<hbm>> -> memref<100000xf32, #tpu.memory_space<hbm>>
    tpu.wait_dma2 semaphore(%arg9 : memref<!tpu.dma_semaphore, #tpu.memory_space<semaphore_mem>>) src(%dma_wait3A_12 : memref<100000xf32, #tpu.memory_space<hbm>>) dst(%arg5 : memref<100000xf32, #tpu.memory_space<vmem>>)
    %parallel_loop3A = arith.constant 0 : i32
    %parallel_loop3A_13 = arith.constant 256 : i32
    %parallel_loop3A_14 = arith.constant 1 : i32
    scf.for %parallel_loop3A_146 = %parallel_loop3A to %parallel_loop3A_13 step %parallel_loop3A_14  : i32 {
      %parallel_loop3A_147 = arith.constant 16 : i32
      %parallel_loop3A_148 = arith.muli %parallel_loop3A_146, %parallel_loop3A_147 : i32
      %parallel_loop3A_149 = arith.constant 0 : i32
      %parallel_loop3A_150 = arith.addi %parallel_loop3A_149, %parallel_loop3A_148 : i32
      %parallel_loop3A_151 = arith.index_cast %parallel_loop3A_150 : i32 to index
      %parallel_loop3A_152 = tpu.vector_load %arg6[%parallel_loop3A_151] {strides = array<i32>} : memref<16384xi32, #tpu.memory_space<vmem>>, vector<16xi32>,
      %parallel_loop3A_153 = tpu.vector_load_idx %arg5[%parallel_loop3A_152] : memref<100000xf32, #tpu.memory_space<vmem>>[vector<16xi32>], vector<16xf32>,
      %parallel_loop3A_154 = arith.constant 16 : i32
      %parallel_loop3A_155 = arith.muli %parallel_loop3A_146, %parallel_loop3A_154 : i32
      %parallel_loop3A_156 = arith.index_cast %parallel_loop3A_155 : i32 to index
      %parallel_loop3A_157 = tpu.vector_load %arg7[%parallel_loop3A_156] {strides = array<i32>} : memref<4096xf32, #tpu.memory_space<vmem>>, vector<16xf32>,
      tpu.vector_store %arg7[%parallel_loop3A_156], %parallel_loop3A_153 {strides = array<i32>} : memref<4096xf32, #tpu.memory_space<vmem>>, vector<16xf32>,
    } {sc.loop_unroll_factor = 8 : i64, sc.parallel_access}
    %dma_start3A_15 = arith.constant 0 : i32
    %dma_start3A_16 = tpu.memref_slice %arg4[%add3A_2, %dma_start3A_15] : memref<64x16384xf32, #tpu.memory_space<hbm>> -> memref<1x4096xf32, #tpu.memory_space<hbm>>
    %dma_start3A_17 = tpu.memref_squeeze %dma_start3A_16 : memref<1x4096xf32, #tpu.memory_space<hbm>> -> memref<4096xf32, #tpu.memory_space<hbm>>
    %dma_start3A_18 = arith.constant 0 : i32
    %dma_start3A_19 = tpu.memref_slice %arg4[%add3A_2, %dma_start3A_18] : memref<64x16384xf32, #tpu.memory_space<hbm>> -> memref<1x4096xf32, #tpu.memory_space<hbm>>
    %dma_start3A_20 = tpu.memref_squeeze %dma_start3A_19 : memref<1x4096xf32, #tpu.memory_space<hbm>> -> memref<4096xf32, #tpu.memory_space<hbm>>
    tpu.enqueue_dma source(%arg7 : memref<4096xf32, #tpu.memory_space<vmem>>) target(%dma_start3A_20 : memref<4096xf32, #tpu.memory_space<hbm>>) target_semaphore(%arg11 : memref<!tpu.dma_semaphore, #tpu.memory_space<semaphore_mem>>)
    %parallel_loop3A_21 = arith.constant 0 : i32
    %parallel_loop3A_22 = arith.constant 256 : i32
    %parallel_loop3A_23 = arith.constant 1 : i32
    scf.for %parallel_loop3A_146 = %parallel_loop3A_21 to %parallel_loop3A_22 step %parallel_loop3A_23  : i32 {
      %parallel_loop3A_147 = arith.constant 16 : i32
      %parallel_loop3A_148 = arith.muli %parallel_loop3A_146, %parallel_loop3A_147 : i32
      %parallel_loop3A_149 = arith.constant 4096 : i32
      %parallel_loop3A_150 = arith.addi %parallel_loop3A_149, %parallel_loop3A_148 : i32
      %parallel_loop3A_151 = arith.index_cast %parallel_loop3A_150 : i32 to index
      %parallel_loop3A_152 = tpu.vector_load %arg6[%parallel_loop3A_151] {strides = array<i32>} : memref<16384xi32, #tpu.memory_space<vmem>>, vector<16xi32>,
      %parallel_loop3A_153 = tpu.vector_load_idx %arg5[%parallel_loop3A_152] : memref<100000xf32, #tpu.memory_space<vmem>>[vector<16xi32>], vector<16xf32>,
      %parallel_loop3A_154 = arith.constant 16 : i32
      %parallel_loop3A_155 = arith.muli %parallel_loop3A_146, %parallel_loop3A_154 : i32
      %parallel_loop3A_156 = arith.index_cast %parallel_loop3A_155 : i32 to index
      %parallel_loop3A_157 = tpu.vector_load %arg8[%parallel_loop3A_156] {strides = array<i32>} : memref<4096xf32, #tpu.memory_space<vmem>>, vector<16xf32>,
      tpu.vector_store %arg8[%parallel_loop3A_156], %parallel_loop3A_153 {strides = array<i32>} : memref<4096xf32, #tpu.memory_space<vmem>>, vector<16xf32>,
    } {sc.loop_unroll_factor = 8 : i64, sc.parallel_access}
    %dma_start3A_24 = arith.constant 4096 : i32
    %dma_start3A_25 = tpu.memref_slice %arg4[%add3A_2, %dma_start3A_24] : memref<64x16384xf32, #tpu.memory_space<hbm>> -> memref<1x4096xf32, #tpu.memory_space<hbm>>
    %dma_start3A_26 = tpu.memref_squeeze %dma_start3A_25 : memref<1x4096xf32, #tpu.memory_space<hbm>> -> memref<4096xf32, #tpu.memory_space<hbm>>
    %dma_start3A_27 = arith.constant 4096 : i32
    %dma_start3A_28 = tpu.memref_slice %arg4[%add3A_2, %dma_start3A_27] : memref<64x16384xf32, #tpu.memory_space<hbm>> -> memref<1x4096xf32, #tpu.memory_space<hbm>>
    %dma_start3A_29 = tpu.memref_squeeze %dma_start3A_28 : memref<1x4096xf32, #tpu.memory_space<hbm>> -> memref<4096xf32, #tpu.memory_space<hbm>>
    tpu.enqueue_dma source(%arg8 : memref<4096xf32, #tpu.memory_space<vmem>>) target(%dma_start3A_29 : memref<4096xf32, #tpu.memory_space<hbm>>) target_semaphore(%arg12 : memref<!tpu.dma_semaphore, #tpu.memory_space<semaphore_mem>>)
    %dma_wait3A_30 = arith.constant 0 : i32
    %dma_wait3A_31 = tpu.memref_slice %arg4[%add3A_2, %dma_wait3A_30] : memref<64x16384xf32, #tpu.memory_space<hbm>> -> memref<1x4096xf32, #tpu.memory_space<hbm>>
    %dma_wait3A_32 = tpu.memref_squeeze %dma_wait3A_31 : memref<1x4096xf32, #tpu.memory_space<hbm>> -> memref<4096xf32, #tpu.memory_space<hbm>>
    %dma_wait3A_33 = arith.constant 0 : i32
    %dma_wait3A_34 = tpu.memref_slice %arg4[%add3A_2, %dma_wait3A_33] : memref<64x16384xf32, #tpu.memory_space<hbm>> -> memref<1x4096xf32, #tpu.memory_space<hbm>>
    %dma_wait3A_35 = tpu.memref_squeeze %dma_wait3A_34 : memref<1x4096xf32, #tpu.memory_space<hbm>> -> memref<4096xf32, #tpu.memory_space<hbm>>
    tpu.wait_dma2 semaphore(%arg11 : memref<!tpu.dma_semaphore, #tpu.memory_space<semaphore_mem>>) src(%arg7 : memref<4096xf32, #tpu.memory_space<vmem>>) dst(%dma_wait3A_35 : memref<4096xf32, #tpu.memory_space<hbm>>)
    %parallel_loop3A_36 = arith.constant 0 : i32
    %parallel_loop3A_37 = arith.constant 256 : i32
    %parallel_loop3A_38 = arith.constant 1 : i32
    scf.for %parallel_loop3A_146 = %parallel_loop3A_36 to %parallel_loop3A_37 step %parallel_loop3A_38  : i32 {
      %parallel_loop3A_147 = arith.constant 16 : i32
      %parallel_loop3A_148 = arith.muli %parallel_loop3A_146, %parallel_loop3A_147 : i32
      %parallel_loop3A_149 = arith.constant 8192 : i32
      %parallel_loop3A_150 = arith.addi %parallel_loop3A_149, %parallel_loop3A_148 : i32
      %parallel_loop3A_151 = arith.index_cast %parallel_loop3A_150 : i32 to index
      %parallel_loop3A_152 = tpu.vector_load %arg6[%parallel_loop3A_151] {strides = array<i32>} : memref<16384xi32, #tpu.memory_space<vmem>>, vector<16xi32>,
      %parallel_loop3A_153 = tpu.vector_load_idx %arg5[%parallel_loop3A_152] : memref<100000xf32, #tpu.memory_space<vmem>>[vector<16xi32>], vector<16xf32>,
      %parallel_loop3A_154 = arith.constant 16 : i32
      %parallel_loop3A_155 = arith.muli %parallel_loop3A_146, %parallel_loop3A_154 : i32
      %parallel_loop3A_156 = arith.index_cast %parallel_loop3A_155 : i32 to index
      %parallel_loop3A_157 = tpu.vector_load %arg7[%parallel_loop3A_156] {strides = array<i32>} : memref<4096xf32, #tpu.memory_space<vmem>>, vector<16xf32>,
      tpu.vector_store %arg7[%parallel_loop3A_156], %parallel_loop3A_153 {strides = array<i32>} : memref<4096xf32, #tpu.memory_space<vmem>>, vector<16xf32>,
    } {sc.loop_unroll_factor = 8 : i64, sc.parallel_access}
    %dma_start3A_39 = arith.constant 8192 : i32
    %dma_start3A_40 = tpu.memref_slice %arg4[%add3A_2, %dma_start3A_39] : memref<64x16384xf32, #tpu.memory_space<hbm>> -> memref<1x4096xf32, #tpu.memory_space<hbm>>
    %dma_start3A_41 = tpu.memref_squeeze %dma_start3A_40 : memref<1x4096xf32, #tpu.memory_space<hbm>> -> memref<4096xf32, #tpu.memory_space<hbm>>
    %dma_start3A_42 = arith.constant 8192 : i32
    %dma_start3A_43 = tpu.memref_slice %arg4[%add3A_2, %dma_start3A_42] : memref<64x16384xf32, #tpu.memory_space<hbm>> -> memref<1x4096xf32, #tpu.memory_space<hbm>>
    %dma_start3A_44 = tpu.memref_squeeze %dma_start3A_43 : memref<1x4096xf32, #tpu.memory_space<hbm>> -> memref<4096xf32, #tpu.memory_space<hbm>>
    tpu.enqueue_dma source(%arg7 : memref<4096xf32, #tpu.memory_space<vmem>>) target(%dma_start3A_44 : memref<4096xf32, #tpu.memory_space<hbm>>) target_semaphore(%arg11 : memref<!tpu.dma_semaphore, #tpu.memory_space<semaphore_mem>>)
    %dma_wait3A_45 = arith.constant 4096 : i32
    %dma_wait3A_46 = tpu.memref_slice %arg4[%add3A_2, %dma_wait3A_45] : memref<64x16384xf32, #tpu.memory_space<hbm>> -> memref<1x4096xf32, #tpu.memory_space<hbm>>
    %dma_wait3A_47 = tpu.memref_squeeze %dma_wait3A_46 : memref<1x4096xf32, #tpu.memory_space<hbm>> -> memref<4096xf32, #tpu.memory_space<hbm>>
    %dma_wait3A_48 = arith.constant 4096 : i32
    %dma_wait3A_49 = tpu.memref_slice %arg4[%add3A_2, %dma_wait3A_48] : memref<64x16384xf32, #tpu.memory_space<hbm>> -> memref<1x4096xf32, #tpu.memory_space<hbm>>
    %dma_wait3A_50 = tpu.memref_squeeze %dma_wait3A_49 : memref<1x4096xf32, #tpu.memory_space<hbm>> -> memref<4096xf32, #tpu.memory_space<hbm>>
    tpu.wait_dma2 semaphore(%arg12 : memref<!tpu.dma_semaphore, #tpu.memory_space<semaphore_mem>>) src(%arg8 : memref<4096xf32, #tpu.memory_space<vmem>>) dst(%dma_wait3A_50 : memref<4096xf32, #tpu.memory_space<hbm>>)
    %parallel_loop3A_51 = arith.constant 0 : i32
    %parallel_loop3A_52 = arith.constant 256 : i32
    %parallel_loop3A_53 = arith.constant 1 : i32
    scf.for %parallel_loop3A_146 = %parallel_loop3A_51 to %parallel_loop3A_52 step %parallel_loop3A_53  : i32 {
      %parallel_loop3A_147 = arith.constant 16 : i32
      %parallel_loop3A_148 = arith.muli %parallel_loop3A_146, %parallel_loop3A_147 : i32
      %parallel_loop3A_149 = arith.constant 12288 : i32
      %parallel_loop3A_150 = arith.addi %parallel_loop3A_149, %parallel_loop3A_148 : i32
      %parallel_loop3A_151 = arith.index_cast %parallel_loop3A_150 : i32 to index
      %parallel_loop3A_152 = tpu.vector_load %arg6[%parallel_loop3A_151] {strides = array<i32>} : memref<16384xi32, #tpu.memory_space<vmem>>, vector<16xi32>,
      %parallel_loop3A_153 = tpu.vector_load_idx %arg5[%parallel_loop3A_152] : memref<100000xf32, #tpu.memory_space<vmem>>[vector<16xi32>], vector<16xf32>,
      %parallel_loop3A_154 = arith.constant 16 : i32
      %parallel_loop3A_155 = arith.muli %parallel_loop3A_146, %parallel_loop3A_154 : i32
      %parallel_loop3A_156 = arith.index_cast %parallel_loop3A_155 : i32 to index
      %parallel_loop3A_157 = tpu.vector_load %arg8[%parallel_loop3A_156] {strides = array<i32>} : memref<4096xf32, #tpu.memory_space<vmem>>, vector<16xf32>,
      tpu.vector_store %arg8[%parallel_loop3A_156], %parallel_loop3A_153 {strides = array<i32>} : memref<4096xf32, #tpu.memory_space<vmem>>, vector<16xf32>,
    } {sc.loop_unroll_factor = 8 : i64, sc.parallel_access}
    %dma_start3A_54 = arith.constant 12288 : i32
    %dma_start3A_55 = tpu.memref_slice %arg4[%add3A_2, %dma_start3A_54] : memref<64x16384xf32, #tpu.memory_space<hbm>> -> memref<1x4096xf32, #tpu.memory_space<hbm>>
    %dma_start3A_56 = tpu.memref_squeeze %dma_start3A_55 : memref<1x4096xf32, #tpu.memory_space<hbm>> -> memref<4096xf32, #tpu.memory_space<hbm>>
    %dma_start3A_57 = arith.constant 12288 : i32
    %dma_start3A_58 = tpu.memref_slice %arg4[%add3A_2, %dma_start3A_57] : memref<64x16384xf32, #tpu.memory_space<hbm>> -> memref<1x4096xf32, #tpu.memory_space<hbm>>
    %dma_start3A_59 = tpu.memref_squeeze %dma_start3A_58 : memref<1x4096xf32, #tpu.memory_space<hbm>> -> memref<4096xf32, #tpu.memory_space<hbm>>
    tpu.enqueue_dma source(%arg8 : memref<4096xf32, #tpu.memory_space<vmem>>) target(%dma_start3A_59 : memref<4096xf32, #tpu.memory_space<hbm>>) target_semaphore(%arg12 : memref<!tpu.dma_semaphore, #tpu.memory_space<semaphore_mem>>)
    %add3A_60 = arith.constant 32 : i32
    %add3A_61 = arith.addi %add3A, %add3A_60 : i32
    %dma_start3A_62 = arith.constant 0 : i32
    %dma_start3A_63 = tpu.memref_slice %arg2[%add3A_61, %dma_start3A_62] : memref<64x100000xf32, #tpu.memory_space<hbm>> -> memref<1x100000xf32, #tpu.memory_space<hbm>>
    %dma_start3A_64 = tpu.memref_squeeze %dma_start3A_63 : memref<1x100000xf32, #tpu.memory_space<hbm>> -> memref<100000xf32, #tpu.memory_space<hbm>>
    %dma_start3A_65 = arith.constant 0 : i32
    %dma_start3A_66 = tpu.memref_slice %arg2[%add3A_61, %dma_start3A_65] : memref<64x100000xf32, #tpu.memory_space<hbm>> -> memref<1x100000xf32, #tpu.memory_space<hbm>>
    %dma_start3A_67 = tpu.memref_squeeze %dma_start3A_66 : memref<1x100000xf32, #tpu.memory_space<hbm>> -> memref<100000xf32, #tpu.memory_space<hbm>>
    tpu.enqueue_dma source(%dma_start3A_67 : memref<100000xf32, #tpu.memory_space<hbm>>) target(%arg5 : memref<100000xf32, #tpu.memory_space<vmem>>) target_semaphore(%arg9 : memref<!tpu.dma_semaphore, #tpu.memory_space<semaphore_mem>>)
    %dma_wait3A_68 = arith.constant 0 : i32
    %dma_wait3A_69 = tpu.memref_slice %arg2[%add3A_61, %dma_wait3A_68] : memref<64x100000xf32, #tpu.memory_space<hbm>> -> memref<1x100000xf32, #tpu.memory_space<hbm>>
    %dma_wait3A_70 = tpu.memref_squeeze %dma_wait3A_69 : memref<1x100000xf32, #tpu.memory_space<hbm>> -> memref<100000xf32, #tpu.memory_space<hbm>>
    %dma_wait3A_71 = arith.constant 0 : i32
    %dma_wait3A_72 = tpu.memref_slice %arg2[%add3A_61, %dma_wait3A_71] : memref<64x100000xf32, #tpu.memory_space<hbm>> -> memref<1x100000xf32, #tpu.memory_space<hbm>>
    %dma_wait3A_73 = tpu.memref_squeeze %dma_wait3A_72 : memref<1x100000xf32, #tpu.memory_space<hbm>> -> memref<100000xf32, #tpu.memory_space<hbm>>
    tpu.wait_dma2 semaphore(%arg9 : memref<!tpu.dma_semaphore, #tpu.memory_space<semaphore_mem>>) src(%dma_wait3A_73 : memref<100000xf32, #tpu.memory_space<hbm>>) dst(%arg5 : memref<100000xf32, #tpu.memory_space<vmem>>)
    %dma_wait3A_74 = arith.constant 8192 : i32
    %dma_wait3A_75 = tpu.memref_slice %arg4[%add3A_2, %dma_wait3A_74] : memref<64x16384xf32, #tpu.memory_space<hbm>> -> memref<1x4096xf32, #tpu.memory_space<hbm>>
    %dma_wait3A_76 = tpu.memref_squeeze %dma_wait3A_75 : memref<1x4096xf32, #tpu.memory_space<hbm>> -> memref<4096xf32, #tpu.memory_space<hbm>>
    %dma_wait3A_77 = arith.constant 8192 : i32
    %dma_wait3A_78 = tpu.memref_slice %arg4[%add3A_2, %dma_wait3A_77] : memref<64x16384xf32, #tpu.memory_space<hbm>> -> memref<1x4096xf32, #tpu.memory_space<hbm>>
    %dma_wait3A_79 = tpu.memref_squeeze %dma_wait3A_78 : memref<1x4096xf32, #tpu.memory_space<hbm>> -> memref<4096xf32, #tpu.memory_space<hbm>>
    tpu.wait_dma2 semaphore(%arg11 : memref<!tpu.dma_semaphore, #tpu.memory_space<semaphore_mem>>) src(%arg7 : memref<4096xf32, #tpu.memory_space<vmem>>) dst(%dma_wait3A_79 : memref<4096xf32, #tpu.memory_space<hbm>>)
    %parallel_loop3A_80 = arith.constant 0 : i32
    %parallel_loop3A_81 = arith.constant 256 : i32
    %parallel_loop3A_82 = arith.constant 1 : i32
    scf.for %parallel_loop3A_146 = %parallel_loop3A_80 to %parallel_loop3A_81 step %parallel_loop3A_82  : i32 {
      %parallel_loop3A_147 = arith.constant 16 : i32
      %parallel_loop3A_148 = arith.muli %parallel_loop3A_146, %parallel_loop3A_147 : i32
      %parallel_loop3A_149 = arith.constant 0 : i32
      %parallel_loop3A_150 = arith.addi %parallel_loop3A_149, %parallel_loop3A_148 : i32
      %parallel_loop3A_151 = arith.index_cast %parallel_loop3A_150 : i32 to index
      %parallel_loop3A_152 = tpu.vector_load %arg6[%parallel_loop3A_151] {strides = array<i32>} : memref<16384xi32, #tpu.memory_space<vmem>>, vector<16xi32>,
      %parallel_loop3A_153 = tpu.vector_load_idx %arg5[%parallel_loop3A_152] : memref<100000xf32, #tpu.memory_space<vmem>>[vector<16xi32>], vector<16xf32>,
      %parallel_loop3A_154 = arith.constant 16 : i32
      %parallel_loop3A_155 = arith.muli %parallel_loop3A_146, %parallel_loop3A_154 : i32
      %parallel_loop3A_156 = arith.index_cast %parallel_loop3A_155 : i32 to index
      %parallel_loop3A_157 = tpu.vector_load %arg7[%parallel_loop3A_156] {strides = array<i32>} : memref<4096xf32, #tpu.memory_space<vmem>>, vector<16xf32>,
      tpu.vector_store %arg7[%parallel_loop3A_156], %parallel_loop3A_153 {strides = array<i32>} : memref<4096xf32, #tpu.memory_space<vmem>>, vector<16xf32>,
    } {sc.loop_unroll_factor = 8 : i64, sc.parallel_access}
    %dma_start3A_83 = arith.constant 0 : i32
    %dma_start3A_84 = tpu.memref_slice %arg4[%add3A_61, %dma_start3A_83] : memref<64x16384xf32, #tpu.memory_space<hbm>> -> memref<1x4096xf32, #tpu.memory_space<hbm>>
    %dma_start3A_85 = tpu.memref_squeeze %dma_start3A_84 : memref<1x4096xf32, #tpu.memory_space<hbm>> -> memref<4096xf32, #tpu.memory_space<hbm>>
    %dma_start3A_86 = arith.constant 0 : i32
    %dma_start3A_87 = tpu.memref_slice %arg4[%add3A_61, %dma_start3A_86] : memref<64x16384xf32, #tpu.memory_space<hbm>> -> memref<1x4096xf32, #tpu.memory_space<hbm>>
    %dma_start3A_88 = tpu.memref_squeeze %dma_start3A_87 : memref<1x4096xf32, #tpu.memory_space<hbm>> -> memref<4096xf32, #tpu.memory_space<hbm>>
    tpu.enqueue_dma source(%arg7 : memref<4096xf32, #tpu.memory_space<vmem>>) target(%dma_start3A_88 : memref<4096xf32, #tpu.memory_space<hbm>>) target_semaphore(%arg11 : memref<!tpu.dma_semaphore, #tpu.memory_space<semaphore_mem>>)
    %dma_wait3A_89 = arith.constant 12288 : i32
    %dma_wait3A_90 = tpu.memref_slice %arg4[%add3A_2, %dma_wait3A_89] : memref<64x16384xf32, #tpu.memory_space<hbm>> -> memref<1x4096xf32, #tpu.memory_space<hbm>>
    %dma_wait3A_91 = tpu.memref_squeeze %dma_wait3A_90 : memref<1x4096xf32, #tpu.memory_space<hbm>> -> memref<4096xf32, #tpu.memory_space<hbm>>
    %dma_wait3A_92 = arith.constant 12288 : i32
    %dma_wait3A_93 = tpu.memref_slice %arg4[%add3A_2, %dma_wait3A_92] : memref<64x16384xf32, #tpu.memory_space<hbm>> -> memref<1x4096xf32, #tpu.memory_space<hbm>>
    %dma_wait3A_94 = tpu.memref_squeeze %dma_wait3A_93 : memref<1x4096xf32, #tpu.memory_space<hbm>> -> memref<4096xf32, #tpu.memory_space<hbm>>
    tpu.wait_dma2 semaphore(%arg12 : memref<!tpu.dma_semaphore, #tpu.memory_space<semaphore_mem>>) src(%arg8 : memref<4096xf32, #tpu.memory_space<vmem>>) dst(%dma_wait3A_94 : memref<4096xf32, #tpu.memory_space<hbm>>)
    %parallel_loop3A_95 = arith.constant 0 : i32
    %parallel_loop3A_96 = arith.constant 256 : i32
    %parallel_loop3A_97 = arith.constant 1 : i32
    scf.for %parallel_loop3A_146 = %parallel_loop3A_95 to %parallel_loop3A_96 step %parallel_loop3A_97  : i32 {
      %parallel_loop3A_147 = arith.constant 16 : i32
      %parallel_loop3A_148 = arith.muli %parallel_loop3A_146, %parallel_loop3A_147 : i32
      %parallel_loop3A_149 = arith.constant 4096 : i32
      %parallel_loop3A_150 = arith.addi %parallel_loop3A_149, %parallel_loop3A_148 : i32
      %parallel_loop3A_151 = arith.index_cast %parallel_loop3A_150 : i32 to index
      %parallel_loop3A_152 = tpu.vector_load %arg6[%parallel_loop3A_151] {strides = array<i32>} : memref<16384xi32, #tpu.memory_space<vmem>>, vector<16xi32>,
      %parallel_loop3A_153 = tpu.vector_load_idx %arg5[%parallel_loop3A_152] : memref<100000xf32, #tpu.memory_space<vmem>>[vector<16xi32>], vector<16xf32>,
      %parallel_loop3A_154 = arith.constant 16 : i32
      %parallel_loop3A_155 = arith.muli %parallel_loop3A_146, %parallel_loop3A_154 : i32
      %parallel_loop3A_156 = arith.index_cast %parallel_loop3A_155 : i32 to index
      %parallel_loop3A_157 = tpu.vector_load %arg8[%parallel_loop3A_156] {strides = array<i32>} : memref<4096xf32, #tpu.memory_space<vmem>>, vector<16xf32>,
      tpu.vector_store %arg8[%parallel_loop3A_156], %parallel_loop3A_153 {strides = array<i32>} : memref<4096xf32, #tpu.memory_space<vmem>>, vector<16xf32>,
    } {sc.loop_unroll_factor = 8 : i64, sc.parallel_access}
    %dma_start3A_98 = arith.constant 4096 : i32
    %dma_start3A_99 = tpu.memref_slice %arg4[%add3A_61, %dma_start3A_98] : memref<64x16384xf32, #tpu.memory_space<hbm>> -> memref<1x4096xf32, #tpu.memory_space<hbm>>
    %dma_start3A_100 = tpu.memref_squeeze %dma_start3A_99 : memref<1x4096xf32, #tpu.memory_space<hbm>> -> memref<4096xf32, #tpu.memory_space<hbm>>
    %dma_start3A_101 = arith.constant 4096 : i32
    %dma_start3A_102 = tpu.memref_slice %arg4[%add3A_61, %dma_start3A_101] : memref<64x16384xf32, #tpu.memory_space<hbm>> -> memref<1x4096xf32, #tpu.memory_space<hbm>>
    %dma_start3A_103 = tpu.memref_squeeze %dma_start3A_102 : memref<1x4096xf32, #tpu.memory_space<hbm>> -> memref<4096xf32, #tpu.memory_space<hbm>>
    tpu.enqueue_dma source(%arg8 : memref<4096xf32, #tpu.memory_space<vmem>>) target(%dma_start3A_103 : memref<4096xf32, #tpu.memory_space<hbm>>) target_semaphore(%arg12 : memref<!tpu.dma_semaphore, #tpu.memory_space<semaphore_mem>>)
    %dma_wait3A_104 = arith.constant 0 : i32
    %dma_wait3A_105 = tpu.memref_slice %arg4[%add3A_61, %dma_wait3A_104] : memref<64x16384xf32, #tpu.memory_space<hbm>> -> memref<1x4096xf32, #tpu.memory_space<hbm>>
    %dma_wait3A_106 = tpu.memref_squeeze %dma_wait3A_105 : memref<1x4096xf32, #tpu.memory_space<hbm>> -> memref<4096xf32, #tpu.memory_space<hbm>>
    %dma_wait3A_107 = arith.constant 0 : i32
    %dma_wait3A_108 = tpu.memref_slice %arg4[%add3A_61, %dma_wait3A_107] : memref<64x16384xf32, #tpu.memory_space<hbm>> -> memref<1x4096xf32, #tpu.memory_space<hbm>>
    %dma_wait3A_109 = tpu.memref_squeeze %dma_wait3A_108 : memref<1x4096xf32, #tpu.memory_space<hbm>> -> memref<4096xf32, #tpu.memory_space<hbm>>
    tpu.wait_dma2 semaphore(%arg11 : memref<!tpu.dma_semaphore, #tpu.memory_space<semaphore_mem>>) src(%arg7 : memref<4096xf32, #tpu.memory_space<vmem>>) dst(%dma_wait3A_109 : memref<4096xf32, #tpu.memory_space<hbm>>)
    %parallel_loop3A_110 = arith.constant 0 : i32
    %parallel_loop3A_111 = arith.constant 256 : i32
    %parallel_loop3A_112 = arith.constant 1 : i32
    scf.for %parallel_loop3A_146 = %parallel_loop3A_110 to %parallel_loop3A_111 step %parallel_loop3A_112  : i32 {
      %parallel_loop3A_147 = arith.constant 16 : i32
      %parallel_loop3A_148 = arith.muli %parallel_loop3A_146, %parallel_loop3A_147 : i32
      %parallel_loop3A_149 = arith.constant 8192 : i32
      %parallel_loop3A_150 = arith.addi %parallel_loop3A_149, %parallel_loop3A_148 : i32
      %parallel_loop3A_151 = arith.index_cast %parallel_loop3A_150 : i32 to index
      %parallel_loop3A_152 = tpu.vector_load %arg6[%parallel_loop3A_151] {strides = array<i32>} : memref<16384xi32, #tpu.memory_space<vmem>>, vector<16xi32>,
      %parallel_loop3A_153 = tpu.vector_load_idx %arg5[%parallel_loop3A_152] : memref<100000xf32, #tpu.memory_space<vmem>>[vector<16xi32>], vector<16xf32>,
      %parallel_loop3A_154 = arith.constant 16 : i32
      %parallel_loop3A_155 = arith.muli %parallel_loop3A_146, %parallel_loop3A_154 : i32
      %parallel_loop3A_156 = arith.index_cast %parallel_loop3A_155 : i32 to index
      %parallel_loop3A_157 = tpu.vector_load %arg7[%parallel_loop3A_156] {strides = array<i32>} : memref<4096xf32, #tpu.memory_space<vmem>>, vector<16xf32>,
      tpu.vector_store %arg7[%parallel_loop3A_156], %parallel_loop3A_153 {strides = array<i32>} : memref<4096xf32, #tpu.memory_space<vmem>>, vector<16xf32>,
    } {sc.loop_unroll_factor = 8 : i64, sc.parallel_access}
    %dma_start3A_113 = arith.constant 8192 : i32
    %dma_start3A_114 = tpu.memref_slice %arg4[%add3A_61, %dma_start3A_113] : memref<64x16384xf32, #tpu.memory_space<hbm>> -> memref<1x4096xf32, #tpu.memory_space<hbm>>
    %dma_start3A_115 = tpu.memref_squeeze %dma_start3A_114 : memref<1x4096xf32, #tpu.memory_space<hbm>> -> memref<4096xf32, #tpu.memory_space<hbm>>
    %dma_start3A_116 = arith.constant 8192 : i32
    %dma_start3A_117 = tpu.memref_slice %arg4[%add3A_61, %dma_start3A_116] : memref<64x16384xf32, #tpu.memory_space<hbm>> -> memref<1x4096xf32, #tpu.memory_space<hbm>>
    %dma_start3A_118 = tpu.memref_squeeze %dma_start3A_117 : memref<1x4096xf32, #tpu.memory_space<hbm>> -> memref<4096xf32, #tpu.memory_space<hbm>>
    tpu.enqueue_dma source(%arg7 : memref<4096xf32, #tpu.memory_space<vmem>>) target(%dma_start3A_118 : memref<4096xf32, #tpu.memory_space<hbm>>) target_semaphore(%arg11 : memref<!tpu.dma_semaphore, #tpu.memory_space<semaphore_mem>>)
    %dma_wait3A_119 = arith.constant 4096 : i32
    %dma_wait3A_120 = tpu.memref_slice %arg4[%add3A_61, %dma_wait3A_119] : memref<64x16384xf32, #tpu.memory_space<hbm>> -> memref<1x4096xf32, #tpu.memory_space<hbm>>
    %dma_wait3A_121 = tpu.memref_squeeze %dma_wait3A_120 : memref<1x4096xf32, #tpu.memory_space<hbm>> -> memref<4096xf32, #tpu.memory_space<hbm>>
    %dma_wait3A_122 = arith.constant 4096 : i32
    %dma_wait3A_123 = tpu.memref_slice %arg4[%add3A_61, %dma_wait3A_122] : memref<64x16384xf32, #tpu.memory_space<hbm>> -> memref<1x4096xf32, #tpu.memory_space<hbm>>
    %dma_wait3A_124 = tpu.memref_squeeze %dma_wait3A_123 : memref<1x4096xf32, #tpu.memory_space<hbm>> -> memref<4096xf32, #tpu.memory_space<hbm>>
    tpu.wait_dma2 semaphore(%arg12 : memref<!tpu.dma_semaphore, #tpu.memory_space<semaphore_mem>>) src(%arg8 : memref<4096xf32, #tpu.memory_space<vmem>>) dst(%dma_wait3A_124 : memref<4096xf32, #tpu.memory_space<hbm>>)
    %parallel_loop3A_125 = arith.constant 0 : i32
    %parallel_loop3A_126 = arith.constant 256 : i32
    %parallel_loop3A_127 = arith.constant 1 : i32
    scf.for %parallel_loop3A_146 = %parallel_loop3A_125 to %parallel_loop3A_126 step %parallel_loop3A_127  : i32 {
      %parallel_loop3A_147 = arith.constant 16 : i32
      %parallel_loop3A_148 = arith.muli %parallel_loop3A_146, %parallel_loop3A_147 : i32
      %parallel_loop3A_149 = arith.constant 12288 : i32
      %parallel_loop3A_150 = arith.addi %parallel_loop3A_149, %parallel_loop3A_148 : i32
      %parallel_loop3A_151 = arith.index_cast %parallel_loop3A_150 : i32 to index
      %parallel_loop3A_152 = tpu.vector_load %arg6[%parallel_loop3A_151] {strides = array<i32>} : memref<16384xi32, #tpu.memory_space<vmem>>, vector<16xi32>,
      %parallel_loop3A_153 = tpu.vector_load_idx %arg5[%parallel_loop3A_152] : memref<100000xf32, #tpu.memory_space<vmem>>[vector<16xi32>], vector<16xf32>,
      %parallel_loop3A_154 = arith.constant 16 : i32
      %parallel_loop3A_155 = arith.muli %parallel_loop3A_146, %parallel_loop3A_154 : i32
      %parallel_loop3A_156 = arith.index_cast %parallel_loop3A_155 : i32 to index
      %parallel_loop3A_157 = tpu.vector_load %arg8[%parallel_loop3A_156] {strides = array<i32>} : memref<4096xf32, #tpu.memory_space<vmem>>, vector<16xf32>,
      tpu.vector_store %arg8[%parallel_loop3A_156], %parallel_loop3A_153 {strides = array<i32>} : memref<4096xf32, #tpu.memory_space<vmem>>, vector<16xf32>,
    } {sc.loop_unroll_factor = 8 : i64, sc.parallel_access}
    %dma_start3A_128 = arith.constant 12288 : i32
    %dma_start3A_129 = tpu.memref_slice %arg4[%add3A_61, %dma_start3A_128] : memref<64x16384xf32, #tpu.memory_space<hbm>> -> memref<1x4096xf32, #tpu.memory_space<hbm>>
    %dma_start3A_130 = tpu.memref_squeeze %dma_start3A_129 : memref<1x4096xf32, #tpu.memory_space<hbm>> -> memref<4096xf32, #tpu.memory_space<hbm>>
    %dma_start3A_131 = arith.constant 12288 : i32
    %dma_start3A_132 = tpu.memref_slice %arg4[%add3A_61, %dma_start3A_131] : memref<64x16384xf32, #tpu.memory_space<hbm>> -> memref<1x4096xf32, #tpu.memory_space<hbm>>
    %dma_start3A_133 = tpu.memref_squeeze %dma_start3A_132 : memref<1x4096xf32, #tpu.memory_space<hbm>> -> memref<4096xf32, #tpu.memory_space<hbm>>
    tpu.enqueue_dma source(%arg8 : memref<4096xf32, #tpu.memory_space<vmem>>) target(%dma_start3A_133 : memref<4096xf32, #tpu.memory_space<hbm>>) target_semaphore(%arg12 : memref<!tpu.dma_semaphore, #tpu.memory_space<semaphore_mem>>)
    %dma_wait3A_134 = arith.constant 8192 : i32
    %dma_wait3A_135 = tpu.memref_slice %arg4[%add3A_61, %dma_wait3A_134] : memref<64x16384xf32, #tpu.memory_space<hbm>> -> memref<1x4096xf32, #tpu.memory_space<hbm>>
    %dma_wait3A_136 = tpu.memref_squeeze %dma_wait3A_135 : memref<1x4096xf32, #tpu.memory_space<hbm>> -> memref<4096xf32, #tpu.memory_space<hbm>>
    %dma_wait3A_137 = arith.constant 8192 : i32
    %dma_wait3A_138 = tpu.memref_slice %arg4[%add3A_61, %dma_wait3A_137] : memref<64x16384xf32, #tpu.memory_space<hbm>> -> memref<1x4096xf32, #tpu.memory_space<hbm>>
    %dma_wait3A_139 = tpu.memref_squeeze %dma_wait3A_138 : memref<1x4096xf32, #tpu.memory_space<hbm>> -> memref<4096xf32, #tpu.memory_space<hbm>>
    tpu.wait_dma2 semaphore(%arg11 : memref<!tpu.dma_semaphore, #tpu.memory_space<semaphore_mem>>) src(%arg7 : memref<4096xf32, #tpu.memory_space<vmem>>) dst(%dma_wait3A_139 : memref<4096xf32, #tpu.memory_space<hbm>>)
    %dma_wait3A_140 = arith.constant 12288 : i32
    %dma_wait3A_141 = tpu.memref_slice %arg4[%add3A_61, %dma_wait3A_140] : memref<64x16384xf32, #tpu.memory_space<hbm>> -> memref<1x4096xf32, #tpu.memory_space<hbm>>
    %dma_wait3A_142 = tpu.memref_squeeze %dma_wait3A_141 : memref<1x4096xf32, #tpu.memory_space<hbm>> -> memref<4096xf32, #tpu.memory_space<hbm>>
    %dma_wait3A_143 = arith.constant 12288 : i32
    %dma_wait3A_144 = tpu.memref_slice %arg4[%add3A_61, %dma_wait3A_143] : memref<64x16384xf32, #tpu.memory_space<hbm>> -> memref<1x4096xf32, #tpu.memory_space<hbm>>
    %dma_wait3A_145 = tpu.memref_squeeze %dma_wait3A_144 : memref<1x4096xf32, #tpu.memory_space<hbm>> -> memref<4096xf32, #tpu.memory_space<hbm>>
    tpu.wait_dma2 semaphore(%arg12 : memref<!tpu.dma_semaphore, #tpu.memory_space<semaphore_mem>>) src(%arg8 : memref<4096xf32, #tpu.memory_space<vmem>>) dst(%dma_wait3A_145 : memref<4096xf32, #tpu.memory_space<hbm>>)
    return
  }
}

</mosaic_0001>

<sc_bundles>
// kernel: kernel.3.cloned.1.call-start
scs
__scs_entry_jumppad:
0x0: {  	(pc) =	sbr.rel $0x88, $3  }
0x1: {  	(tag) =	ssettag $0x0;
	lr =	simm.s32 $0x1  }
0x2: {  	[smem:$0x3F9F] =	sst lr;
	_ =	strace $0xD0000000  }
0x3: {  	_ = 	snop  }
0x4: {  	_ = 	snop  }
0x5: {  	_ = 	snop  }
0x6: {  	_ = 	snop  }
0x7: {  	_ = 	snop  }
__scs_overlays_trampoline_lowered:
0x8: {  	[smem:$0x3FAE] =	sst s0  }
0x9: {  	[smem:$0x3FAF] =	sst s1  }
0xa: {  	[smem:$0x3FB0] =	sst s2  }
0xb: {  	[smem:$0x3FB1] =	sst s3  }
0xc: {  	[smem:$0x3FB2] =	sst s4  }
0xd: {  	[smem:$0x3FB3] =	sst s5  }
0xe: {  	[smem:$0x3FB4] =	sst s6  }
0xf: {  	[smem:$0x3FB5] =	sst s7  }
0x10: {  	[smem:$0x3FB6] =	sst s8  }
0x11: {  	[smem:$0x3FB7] =	sst s9;
	s0 =	simm.s32 @!p0 $0x0  }
0x12: {  	s1 =	sld [smem:$0x3F9D];
	s0 =	simm.s32 @p0 $0x1  }
0x13: {  	[smem:$0x3FB8] =	sst s0;
	s0 =	simm.s32 @!p1 $0x0  }
0x14: {  	s2 =	sld [smem:$0x3F9C];
	s0 =	simm.s32 @p1 $0x1  }
0x15: {  	[smem:$0x3FB9] =	sst s0;
	s0 =	simm.s32 @!p2 $0x0  }
0x16: {  	s3 =	sld [smem:$0x3FDB];
	s0 =	simm.s32 @p2 $0x1  }
0x17: {  	s4 =	simm.s32 $0x1BF5;
	[smem:$0x3FBB] =	sst s0  }
0x18: {  	s0 =	sld [smem:$0x3F9E];
	_ =	swait.ge [sflag:s4], $0x0  }
0x19: {  	s7 =	sld [smem:$0x3F9F]  }
0x1a: {  	s8 =	sadd.s32 $0xFFFFE003, lr  }
0x1b: {  	s9 =	sadd.s32 $0xFFFFFEF7, lr;
	s5 =	simm.s32 $0xFFFFFFFF;
	p2 =	slt.u32 s8, $0xFFFFF086  }
0x1c: {  	p1 =	slt.u32 s9, $0xF7A;
	s5 =	simm.s32 @!p2 $0x0  }
0x1d: {  	s5 =	simm.s32 @p1 $0x1;
	p0 =	seq.s32 s7, s2  }
0x1e: {  	s7 =	smul.u32 @!p0 $0xF7A, s2;
	p2 =	seq.s32 @!p0 s5, $0x0  }
0x1f: {  	s9 =	smul.u32 $0xF7A, s1;
	s8 =	simm.s32 @!p0 $0x1BF5;
	p2 =	por !p2, p0  }
0x20: {  	[sflag:s8] =	ssyncset.s32 @!p0 $0xFFFFF086;
	s6 =	sadd.s32 @!p0 s3, s7;
	s7 =	simm.s32 @!p0 $0x108  }
0x21: {  	s3 =	sadd.s32 s3, s9;
	s6 =	sadd.s32 @!p0 $0x88, s6;
	s7 =	simm.s32 @p2 $0x1082  }
0x22: {  	[simem:s7], [sflag:s8] =	dma.local @!p0 [hbm:s6], $0xF7A  }
0x23: {  	s9 =	sor.u32 $0xD0000000, s2;
	s6 =	simm.s32 $0x108;
	_ =	swait.ge @!p0 [sflag:s8], $0x0  }
0x24: {  	s3 =	sadd.s32 $0x88, s3;
	s6 =	simm.s32 @!p1 $0x1082;
	[sflag:s4] =	ssyncset.s32 $0xFFFFF086  }
0x25: {  	[simem:s6], [sflag:s4] =	dma.local [hbm:s3], $0xF7A  }
0x26: {  	[smem:$0x3F9F] =	sst s1;
	(tag) =	ssettag s2;
	_ =	strace s9  }
0x27: {  	s1 =	sld [smem:$0x3FAF]  }
0x28: {  	s2 =	sld [smem:$0x3FB0]  }
0x29: {  	s4 =	sld [smem:$0x3FB2]  }
0x2a: {  	p0 =	seq.s32 s5, $0x0;
	s5 =	sld [smem:$0x3FB3]  }
0x2b: {  	s6 =	sld [smem:$0x3FB4]  }
0x2c: {  	s7 =	sld [smem:$0x3FB5]  }
0x2d: {  	s3 =	simm.s32 $0x108;
	s8 =	sld [smem:$0x3FB6]  }
0x2e: {  	s3 =	simm.s32 @!p0 $0x1082;
	s9 =	sld [smem:$0x3FB7]  }
0x2f: {  	lr =	sadd.s32 s0, s3;
	s0 =	sld [smem:$0x3FAE]  }
0x30: {  	s3 =	sld [smem:$0x3FB1]  }
0x31: {  	[smem:$0x3FBA] =	sst s10  }
0x32: {  	s10 =	sld [smem:$0x3FB8];
	_ =	sdelay $0x3  }
0x33: {  	p0 =	seq.s32 s10, $0x1;
	s10 =	sld [smem:$0x3FBA];
	_ =	sdelay $0x3  }
0x34: {  	[smem:$0x3FBA] =	sst s10  }
0x35: {  	s10 =	sld [smem:$0x3FB9];
	_ =	sdelay $0x3  }
0x36: {  	p1 =	seq.s32 s10, $0x1;
	s10 =	sld [smem:$0x3FBA];
	_ =	sdelay $0x3  }
0x37: {  	[smem:$0x3FBA] =	sst s10  }
0x38: {  	s10 =	sld [smem:$0x3FBB]  }
0x39: {  	_ = 	snop;
	(pc) =	sbr.ind lr, $3  }
0x3a: {  	_ = 	snop  }
0x3b: {  	_ = 	snop  }
0x3c: {  	p2 =	seq.s32 s10, $0x1;
	s10 =	sld [smem:$0x3FBA]  }
0x3d: {  	_ =	shalt  }
0x3e: {  	_ =	shalt  }
0x3f: {  	_ =	shalt  }
0x40: {  	_ =	shalt  }
0x41: {  	_ =	shalt  }
0x42: {  	_ =	shalt  }
0x43: {  	_ =	shalt  }
0x44: {  	_ =	shalt  }
0x45: {  	_ =	shalt  }
0x46: {  	_ =	shalt  }
0x47: {  	_ =	shalt  }
0x48: {  	_ =	shalt  }
0x49: {  	_ =	shalt  }
0x4a: {  	_ =	shalt  }
0x4b: {  	_ =	shalt  }
0x4c: {  	_ =	shalt  }
0x4d: {  	_ =	shalt  }
0x4e: {  	_ =	shalt  }
0x4f: {  	_ =	shalt  }
0x50: {  	_ =	shalt  }
0x51: {  	_ =	shalt  }
0x52: {  	_ =	shalt  }
0x53: {  	_ =	shalt  }
0x54: {  	_ =	shalt  }
0x55: {  	_ =	shalt  }
0x56: {  	_ =	shalt  }
0x57: {  	_ =	shalt  }
0x58: {  	_ =	shalt  }
0x59: {  	_ =	shalt  }
0x5a: {  	_ =	shalt  }
0x5b: {  	_ =	shalt  }
0x5c: {  	_ =	shalt  }
0x5d: {  	_ =	shalt  }
0x5e: {  	_ =	shalt  }
0x5f: {  	_ =	shalt  }
0x60: {  	_ =	shalt  }
0x61: {  	_ =	shalt  }
0x62: {  	_ =	shalt  }
0x63: {  	_ =	shalt  }
0x64: {  	_ =	shalt  }
0x65: {  	_ =	shalt  }
0x66: {  	_ =	shalt  }
0x67: {  	_ =	shalt  }
0x68: {  	_ =	shalt  }
0x69: {  	_ =	shalt  }
0x6a: {  	_ =	shalt  }
0x6b: {  	_ =	shalt  }
0x6c: {  	_ =	shalt  }
0x6d: {  	_ =	shalt  }
0x6e: {  	_ =	shalt  }
0x6f: {  	_ =	shalt  }
0x70: {  	_ =	shalt  }
0x71: {  	_ =	shalt  }
0x72: {  	_ =	shalt  }
0x73: {  	_ =	shalt  }
0x74: {  	_ =	shalt  }
0x75: {  	_ =	shalt  }
0x76: {  	_ =	shalt  }
0x77: {  	_ =	shalt  }
0x78: {  	_ =	shalt  }
0x79: {  	_ =	shalt  }
0x7a: {  	_ =	shalt  }
0x7b: {  	_ =	shalt  }
0x7c: {  	_ =	shalt  }
0x7d: {  	_ =	shalt  }
0x7e: {  	_ =	shalt  }
0x7f: {  	_ =	shalt  }
0x80: {  	_ =	shalt  }
0x81: {  	_ =	shalt  }
0x82: {  	_ =	shalt  }
0x83: {  	_ =	shalt  }
0x84: {  	_ =	shalt  }
0x85: {  	_ =	shalt  }
0x86: {  	_ =	shalt  }
0x87: {  	_ =	shalt  }
.Lfunc_end0:
.L_simem_size_0:
called_computation_lowered:
.L_overlay_start_0:
0x88: {  	s2 =	sld [smem:$0x3FD9]  }
0x89: {  	s3 =	sld [smem:$0x3FFE];
	_ =	sdelay $0x1  }
0x8a: {  	s1 =	srdreg.scid  }
0x8b: {  	s0 =	sand.u32 $0x1, s1  }
0x8c: {  	s18 =	sshll.u32 s0, $0xA;
	s2 =	sadd.s32 s3, s2  }
0x8d: {  	s2 =	sadd.s32 s2, s18  }
0x8e: {  	[smem:$0x3FC6] =	sst s2  }
0x8f: {  	_ = 	snop  }
0x90: {  	s2 =	sld [smem:$0x3FC9]  }
0x91: {  	s19 =	sld [smem:$0x3FC8]  }
0x92: {  	s4 =	sld [smem:$0x3FD0];
	(tm) =	ssettm $0x1  }
0x93: {  	s5 =	sld [smem:$0x3FFB];
	_ =	sdelay $0x3  }
0x94: {  	_ =	strace s5  }
0x95: {  	s5 =	sld [smem:$0x3FFC];
	_ =	sdelay $0x3  }
0x96: {  	_ =	strace s5  }
0x97: {  	s5 =	sld [smem:$0x3FFD];
	_ =	sdelay $0x3  }
0x98: {  	_ =	strace s5  }
0x99: {  	_ =	strace $0x8FFFFFFF  }
0x9a: {  	s20 =	sld [smem:$0x3FDB];
	_ =	sdelay $0x1  }
0x9b: {  	s6 =	simm.s32 $_scs_section_size  }
0x9c: {  	s7 =	simm.s32 $_size__tile_overlayer_lowered;
	s8 =	simm.s32 $_tile_overlayer_lowered  }
0x9d: {  	s23 =	simm.s32 $0x1BFF;
	s22 =	sshll.u32 s8, $0x1;
	s5 =	sadd.s32 s6, s20  }
0x9e: {  	s9 =	simm.s32 $0x0;
	s21 =	sshll.u32 s7, $0x1;
	s7 =	sadd.s32 s22, s5  }
0x9f: {  	[timem:s9], [sflag:s23] =	dma.local [hbm:s7], s21  }
0xa0: {  	_ =	swait.ge [sflag:s23], s21  }
0xa1: {  	s6 =	ssub.s32 $0x0, s21;
	[sflag:s23] =	ssyncset.done $0x0  }
0xa2: {  	[sflag:s23] =	ssyncadd.s32 s6;
	_ =	sdelay $0x1  }
0xa3: {  	s24 =	simm.s32 $0x1B8B  }
0xa4: {  	_ =	swait.ge [sflag:s24], $0x1  }
0xa5: {  	[sflag:s24] =	ssyncset.done $0x0  }
0xa6: {  	s25 =	simm.s32 $0x1B8E;
	[sflag:s24] =	ssyncadd.s32 $0xFFFFFFFF  }
0xa7: {  	s26 =	simm.s32 $execute0_lowered;
	[smem:$0x3FD2] =	sst s25  }
0xa8: {  	s6 =	sshll.u32 s26, $0x1;
	_ =	strace $0x80000046;
	[dreg:$0x1] =	wrdreg $0xFFFFFFFF  }
0xa9: {  	s28 =	simm.s32 $_size_execute0_lowered;
	s5 =	sadd.s32 s5, s6;
	[dreg:$0x0] =	wrdreg $0x0  }
0xaa: {  	s6 =	sshll.u32 s28, $0x1;
	[dreg:$0x2] =	wrdreg s5  }
0xab: {  	[dreg:$0x3] =	wrdreg s6  }
0xac: {  	[dreg:$0x4] =	wrdreg $0xC0  }
0xad: {  	_ =	task [dreg:s9], $0x5FFFF  }
0xae: {  	[dreg:$0x1] =	wrdreg $0xFFFFFFFF  }
0xaf: {  	[dreg:$0x0] =	wrdreg $0x60  }
0xb0: {  	[dreg:$0x2] =	wrdreg s2  }
0xb1: {  	[dreg:$0x3] =	wrdreg s19  }
0xb2: {  	[dreg:$0x4] =	wrdreg s4  }
0xb3: {  	[dreg:$0x5] =	wrdreg $0x9  }
0xb4: {  	_ =	task.clear_ibuf [dreg:s9], $0x6FFFF;
	_ =	strace $0x90000046  }
0xb5: {  	s29 =	simm.s32 $0x9;
	_ =	strace $0x80000048  }
0xb6: {  	_ =	swait.ge [sflag:s29], $0x1  }
0xb7: {  	[sflag:s29] =	ssyncadd.s32 $0xFFFFFFFF  }
0xb8: {  	_ =	strace $0x90000048  }
0xb9: {  	_ =	sfence  }
0xba: {  	s30 =	sld [smem:$0x0];
	_ =	sdelay $0x2  }
0xbb: {  	s31 =	sshll.u32 s1, $0xD;
	s1 =	sshrl.u32 s1, $0x2  }
0xbc: {  	s3 =	sand.u32 $0x4000, s31;
	s1 =	sadd.s32 s1, s30  }
0xbd: {  	s0 =	sor.u32 s3, s0;
	s1 =	sshll.u32 s1, $0x11  }
0xbe: {  	s0 =	sor.u32 s1, s0  }
0xbf: {  	s0 =	sadd.s32 $0x8F2B, s0  }
0xc0: {  	[sflag:s0] =	ssyncadd.remote.s32 $0x1  }
0xc1: {  	_ =	sfence.sel $0xFFFF  }
0xc2: {  	[dreg:$0x0] =	wrdreg $0xFFFFFFFF;
	(pc) =	sbr.abs _section_cstart, $3  }
0xc3: {  	[dreg:$0x1] =	wrdreg $0xFFFFFFFF  }
0xc4: {  	_ =	task.clear_ibuf [dreg:s9], $0x2FFFF;
	_ =	strace $0x9FFFFFFF  }
0xc5: {  	(tm) =	ssettm $0x7FFFFFFF  }
tec
execute0_lowered:
.L_overlay_start_1:
0x0: {  	(tag) =	ssettag $0x1  }
0x1: {  	s9 =	rddreg [dreg:$0x0]  }
0x2: {  	s1 =	rddreg [dreg:$0x1]  }
0x3: {  	s10 =	rddreg [dreg:$0x2]  }
0x4: {  	s0 =	rddreg [dreg:$0x3]  }
0x5: {  	s3 =	simm.s32 $0x0;
	s4 =	srdreg.scid;
	s2 =	stileid.u32  }
0x6: {  	s18 =	simm.s32 $0x2;
	s19 =	simm.s32 $0x1;
	s20 =	simm.s32 $0x1C700  }
0x7: {  	s21 =	simm.s32 $0x1D700;
	s22 =	simm.s32 $0x3;
	s23 =	simm.s32 $0x4  }
0x8: {  	s24 =	simm.s32 $0x0;
	s4 =	sand.u32 $0x1, s4;
	s5 =	sshrl.u32 s2, $0x2  }
0x9: {  	s6 =	sshll.u32 s2, $0x8;
	[smem:$0x7FF] =	sst s3;
	s13 =	sadd.s32 $0x1000, s10  }
0xa: {  	s16 =	sadd.s32 $0x2000, s10;
	s17 =	sadd.s32 $0x3000, s10;
	s7 =	sshll.u32 s4, $0x7  }
0xb: {  	s6 =	sand.u32 $0x300, s6;
	s8 =	smul.u32 $0xC3800, s5;
	s4 =	ssub.s32 $0x2, s4  }
0xc: {  	_ =	strace $0x80000047;
	s29 =	sshll.u32 s5, $0x11;
	s30 =	sor.u32 $0x4, s5  }
0xd: {  	s11 =	sor.u32 s7, s6;
	s26 =	sshrl.u32 s4, $0x1;
	s15 =	smul.u32 $0xC3800, s30  }
0xe: {  	s7 =	sor.u32 s8, s11;
	s14 =	ssub.s32 s4, s26;
	s6 =	sor.u32 s29, s11  }
0xf: {  	s8 =	sshll.u32 s30, $0x11;
	s28 =	sshrl.u32 s7, $0x3;
	s12 =	sshrl.u32 s6, $0x3  }
0x10: {  	s15 =	sor.u32 s11, s15;
	s11 =	sor.u32 s11, s8;
	s14 =	smax.u32 s14, $0x1  }
0x11: {  	s4 =	sadd.s32 s9, s28;
	s5 =	sadd.s32 s10, s12;
	s6 =	sadd.s32 s12, s13  }
0x12: {  	s7 =	sadd.s32 s12, s16;
	s15 =	sshrl.u32 s15, $0x3;
	s31 =	sshrl.u32 s11, $0x3  }
0x13: {  	s8 =	sadd.s32 s12, s17;
	s9 =	sadd.s32 s9, s15;
	s10 =	sadd.s32 s10, s31  }
0x14: {  	s11 =	sadd.s32 s31, s13;
	s12 =	sadd.s32 s31, s16;
	s13 =	sadd.s32 s31, s17  }
0x15: {  	s15 =	simm.s32 $0x18700;
	s16 =	simm.s32 $0x80;
	s17 =	simm.s32 $0x400  }
.LBB2_1:
0x16: {  	[tilespmem:s15], [sflag:$0x2] =	stream.linear.gather [hbm4b:s1+s3], $0x4000, $0x38;
	[tilespmem:$0x1E700] =	vst v63  }
0x17: {  	_ = 	snop  }
0x18: {  	[tilespmem:s3], [sflag:$0x1] =	stream.strided.gather [hbm4b:s4+s16], $0x18700, s17, s16, $0x38;
	[tilespmem:$0x1E700] =	vst v63  }
0x19: {  	_ =	swait.ge [sflag:s18], $0x4000  }
0x1a: {  	[sflag:s18] =	ssyncset.done $0x0  }
0x1b: {  	[sflag:s18] =	ssyncadd.s32 $0xFFFFC000  }
0x1c: {  	_ =	swait.ge [sflag:s19], $0x18700  }
0x1d: {  	[sflag:s19] =	ssyncset.done $0x0  }
0x1e: {  	s25 =	simm.s32 $0x18740;
	[sflag:s19] =	ssyncadd.s32 $0xFFFE7900  }
0x1f: {  	v0 =	vld [tilespmem:s25+$0x30]  }
0x20: {  	v1 =	vld [tilespmem:s25+$0xFFFFFFD0]  }
0x21: {  	v2 =	vld [tilespmem:s25+$0xFFFFFFE0]  }
0x22: {  	v3 =	vld [tilespmem:s25+$0xFFFFFFF0]  }
0x23: {  	v4 =	vld [tilespmem:s25+$0x0]  }
0x24: {  	v6 =	vld [tilespmem:s25+$0x10]  }
0x25: {  	v7 =	vld [tilespmem:s25+$0x20]  }
0x26: {  	v8 =	vld [tilespmem:s25+$0xFFFFFFC0]  }
0x27: {  	v9 =	vld.idx.msk [tilespmem:v0+s3+$0x0], $0xffff  }
0x28: {  	v10 =	vld.idx.msk [tilespmem:v1+s3+$0x0], $0xffff  }
0x29: {  	v5 =	vld.idx.msk [tilespmem:v2+s3+$0x0], $0xffff  }
0x2a: {  	v3 =	vld.idx.msk [tilespmem:v3+s3+$0x0], $0xffff  }
0x2b: {  	v0 =	vld.idx.msk [tilespmem:v4+s3+$0x0], $0xffff  }
0x2c: {  	s25 =	simm.s32 $0x1C740;
	v1 =	vld.idx.msk [tilespmem:v6+s3+$0x0], $0xffff  }
0x2d: {  	v2 =	vld.idx.msk [tilespmem:v7+s3+$0x0], $0xffff;
	[tilespmem:s25+$0x30] =	vst v9  }
0x2e: {  	s26 =	simm.s32 $0x0;
	s28 =	simm.s32 $0x187C0;
	v4 =	vld.idx.msk [tilespmem:v8+s3+$0x0], $0xffff;
	[tilespmem:s25+$0xFFFFFFD0] =	vst v10  }
.LBB2_2:
0x2f: {  	v6 =	vld [tilespmem:s28+$0x30];
	s26 =	sadd.s32 $0x8, s26;
	[tilespmem:s25+$0xFFFFFFE0] =	vst v5  }
0x30: {  	v5 =	vld [tilespmem:s28+$0xFFFFFFD0];
	p0 =	slt.u32 s26, $0xF8;
	[tilespmem:s25+$0xFFFFFFF0] =	vst v3  }
0x31: {  	v3 =	vld [tilespmem:s28+$0xFFFFFFE0];
	[tilespmem:s25+$0x0] =	vst v0  }
0x32: {  	v0 =	vld [tilespmem:s28+$0xFFFFFFF0];
	[tilespmem:s25+$0x10] =	vst v1  }
0x33: {  	v1 =	vld [tilespmem:s28+$0x0];
	[tilespmem:s25+$0x20] =	vst v2  }
0x34: {  	v2 =	vld [tilespmem:s28+$0x10];
	[tilespmem:s25+$0xFFFFFFC0] =	vst v4  }
0x35: {  	v4 =	vld [tilespmem:s28+$0x20]  }
0x36: {  	v7 =	vld [tilespmem:s28+$0xFFFFFFC0]  }
0x37: {  	v6 =	vld.idx.msk [tilespmem:v6+s3+$0x0], $0xffff  }
0x38: {  	v8 =	vld.idx.msk [tilespmem:v5+s3+$0x0], $0xffff  }
0x39: {  	v5 =	vld.idx.msk [tilespmem:v3+s3+$0x0], $0xffff  }
.Ltmp0:
0x3a: {  	v3 =	vld.idx.msk [tilespmem:v0+s3+$0x0], $0xffff;
	(pc) =	sbr.rel @p0 .LBB2_2-.Ltmp0, $4  }
0x3b: {  	v0 =	vld.idx.msk [tilespmem:v1+s3+$0x0], $0xffff  }
0x3c: {  	s25 =	sadd.s32 $0x80, s25;
	v1 =	vld.idx.msk [tilespmem:v2+s3+$0x0], $0xffff  }
0x3d: {  	v2 =	vld.idx.msk [tilespmem:v4+s3+$0x0], $0xffff;
	[tilespmem:s25+$0x30] =	vst v6  }
0x3e: {  	s28 =	sadd.s32 $0x80, s28;
	v4 =	vld.idx.msk [tilespmem:v7+s3+$0x0], $0xffff;
	[tilespmem:s25+$0xFFFFFFD0] =	vst v8  }
0x3f: {  	[tilespmem:s25+$0xFFFFFFE0] =	vst v5  }
0x40: {  	[tilespmem:s25+$0xFFFFFFF0] =	vst v3  }
0x41: {  	[tilespmem:s25+$0x0] =	vst v0  }
0x42: {  	[tilespmem:s25+$0x10] =	vst v1  }
0x43: {  	[tilespmem:s25+$0x20] =	vst v2  }
0x44: {  	s31 =	simm.s32 $0x19770;
	[tilespmem:s25+$0xFFFFFFC0] =	vst v4  }
0x45: {  	[hbm4b:s5+s16] =	stream.strided.scatter [tilespmem:s20], [sflag:$0x3], $0x1000, s17, s16, $0x38;
	[tilespmem:$0x1E700] =	vst v63  }
0x46: {  	v0 =	vld [tilespmem:s31+$0x0]  }
0x47: {  	v1 =	vld [tilespmem:s31+$0xFFFFFFA0]  }
0x48: {  	v2 =	vld [tilespmem:s31+$0xFFFFFFB0]  }
0x49: {  	v3 =	vld [tilespmem:s31+$0xFFFFFFC0]  }
0x4a: {  	v4 =	vld [tilespmem:s31+$0xFFFFFFD0]  }
0x4b: {  	v6 =	vld [tilespmem:s31+$0xFFFFFFE0]  }
0x4c: {  	v7 =	vld [tilespmem:s31+$0xFFFFFFF0]  }
0x4d: {  	v8 =	vld [tilespmem:s31+$0xFFFFFF90]  }
0x4e: {  	v9 =	vld.idx.msk [tilespmem:v0+s3+$0x0], $0xffff  }
0x4f: {  	v10 =	vld.idx.msk [tilespmem:v1+s3+$0x0], $0xffff  }
0x50: {  	v5 =	vld.idx.msk [tilespmem:v2+s3+$0x0], $0xffff  }
0x51: {  	v3 =	vld.idx.msk [tilespmem:v3+s3+$0x0], $0xffff  }
0x52: {  	v0 =	vld.idx.msk [tilespmem:v4+s3+$0x0], $0xffff  }
0x53: {  	s25 =	simm.s32 $0x1D740;
	v1 =	vld.idx.msk [tilespmem:v6+s3+$0x0], $0xffff  }
0x54: {  	v2 =	vld.idx.msk [tilespmem:v7+s3+$0x0], $0xffff;
	[tilespmem:s25+$0x30] =	vst v9  }
0x55: {  	s26 =	simm.s32 $0x0;
	s28 =	simm.s32 $0x197F0;
	v4 =	vld.idx.msk [tilespmem:v8+s3+$0x0], $0xffff;
	[tilespmem:s25+$0xFFFFFFD0] =	vst v10  }
.LBB2_4:
0x56: {  	v6 =	vld [tilespmem:s28+$0x0];
	s26 =	sadd.s32 $0x8, s26;
	[tilespmem:s25+$0xFFFFFFE0] =	vst v5  }
0x57: {  	v5 =	vld [tilespmem:s28+$0xFFFFFFA0];
	p0 =	slt.u32 s26, $0xF8;
	[tilespmem:s25+$0xFFFFFFF0] =	vst v3  }
0x58: {  	v3 =	vld [tilespmem:s28+$0xFFFFFFB0];
	[tilespmem:s25+$0x0] =	vst v0  }
0x59: {  	v0 =	vld [tilespmem:s28+$0xFFFFFFC0];
	[tilespmem:s25+$0x10] =	vst v1  }
0x5a: {  	v1 =	vld [tilespmem:s28+$0xFFFFFFD0];
	[tilespmem:s25+$0x20] =	vst v2  }
0x5b: {  	v2 =	vld [tilespmem:s28+$0xFFFFFFE0];
	[tilespmem:s25+$0xFFFFFFC0] =	vst v4  }
0x5c: {  	v4 =	vld [tilespmem:s28+$0xFFFFFFF0]  }
0x5d: {  	v7 =	vld [tilespmem:s28+$0xFFFFFF90]  }
0x5e: {  	v6 =	vld.idx.msk [tilespmem:v6+s3+$0x0], $0xffff  }
0x5f: {  	v8 =	vld.idx.msk [tilespmem:v5+s3+$0x0], $0xffff  }
0x60: {  	v5 =	vld.idx.msk [tilespmem:v3+s3+$0x0], $0xffff  }
.Ltmp1:
0x61: {  	v3 =	vld.idx.msk [tilespmem:v0+s3+$0x0], $0xffff;
	(pc) =	sbr.rel @p0 .LBB2_4-.Ltmp1, $4  }
0x62: {  	v0 =	vld.idx.msk [tilespmem:v1+s3+$0x0], $0xffff  }
0x63: {  	s25 =	sadd.s32 $0x80, s25;
	v1 =	vld.idx.msk [tilespmem:v2+s3+$0x0], $0xffff  }
0x64: {  	v2 =	vld.idx.msk [tilespmem:v4+s3+$0x0], $0xffff;
	[tilespmem:s25+$0x30] =	vst v6  }
0x65: {  	s28 =	sadd.s32 $0x80, s28;
	v4 =	vld.idx.msk [tilespmem:v7+s3+$0x0], $0xffff;
	[tilespmem:s25+$0xFFFFFFD0] =	vst v8  }
0x66: {  	[tilespmem:s25+$0xFFFFFFE0] =	vst v5  }
0x67: {  	[tilespmem:s25+$0xFFFFFFF0] =	vst v3  }
0x68: {  	[tilespmem:s25+$0x0] =	vst v0  }
0x69: {  	[tilespmem:s25+$0x10] =	vst v1  }
0x6a: {  	[tilespmem:s25+$0x20] =	vst v2  }
0x6b: {  	[tilespmem:s25+$0xFFFFFFC0] =	vst v4  }
0x6c: {  	[hbm4b:s6+s16] =	stream.strided.scatter [tilespmem:s21], [sflag:$0x4], $0x1000, s17, s16, $0x38;
	[tilespmem:$0x1E700] =	vst v63  }
0x6d: {  	_ =	swait.ge [sflag:s22], $0x1000  }
0x6e: {  	[sflag:s22] =	ssyncset.done $0x0  }
0x6f: {  	s31 =	simm.s32 $0x1A770;
	[sflag:s22] =	ssyncadd.s32 $0xFFFFF000  }
0x70: {  	v0 =	vld [tilespmem:s31+$0x0]  }
0x71: {  	v1 =	vld [tilespmem:s31+$0xFFFFFFA0]  }
0x72: {  	v2 =	vld [tilespmem:s31+$0xFFFFFFB0]  }
0x73: {  	v3 =	vld [tilespmem:s31+$0xFFFFFFC0]  }
0x74: {  	v4 =	vld [tilespmem:s31+$0xFFFFFFD0]  }
0x75: {  	v6 =	vld [tilespmem:s31+$0xFFFFFFE0]  }
0x76: {  	v7 =	vld [tilespmem:s31+$0xFFFFFFF0]  }
0x77: {  	v8 =	vld [tilespmem:s31+$0xFFFFFF90]  }
0x78: {  	v9 =	vld.idx.msk [tilespmem:v0+s3+$0x0], $0xffff  }
0x79: {  	v10 =	vld.idx.msk [tilespmem:v1+s3+$0x0], $0xffff  }
0x7a: {  	v5 =	vld.idx.msk [tilespmem:v2+s3+$0x0], $0xffff  }
0x7b: {  	v3 =	vld.idx.msk [tilespmem:v3+s3+$0x0], $0xffff  }
0x7c: {  	v0 =	vld.idx.msk [tilespmem:v4+s3+$0x0], $0xffff  }
0x7d: {  	s25 =	simm.s32 $0x1C740;
	v1 =	vld.idx.msk [tilespmem:v6+s3+$0x0], $0xffff  }
0x7e: {  	v2 =	vld.idx.msk [tilespmem:v7+s3+$0x0], $0xffff;
	[tilespmem:s25+$0x30] =	vst v9  }
0x7f: {  	s26 =	simm.s32 $0x0;
	s28 =	simm.s32 $0x1A7F0;
	v4 =	vld.idx.msk [tilespmem:v8+s3+$0x0], $0xffff;
	[tilespmem:s25+$0xFFFFFFD0] =	vst v10  }
.LBB2_6:
0x80: {  	v6 =	vld [tilespmem:s28+$0x0];
	s26 =	sadd.s32 $0x8, s26;
	[tilespmem:s25+$0xFFFFFFE0] =	vst v5  }
0x81: {  	v5 =	vld [tilespmem:s28+$0xFFFFFFA0];
	p0 =	slt.u32 s26, $0xF8;
	[tilespmem:s25+$0xFFFFFFF0] =	vst v3  }
0x82: {  	v3 =	vld [tilespmem:s28+$0xFFFFFFB0];
	[tilespmem:s25+$0x0] =	vst v0  }
0x83: {  	v0 =	vld [tilespmem:s28+$0xFFFFFFC0];
	[tilespmem:s25+$0x10] =	vst v1  }
0x84: {  	v1 =	vld [tilespmem:s28+$0xFFFFFFD0];
	[tilespmem:s25+$0x20] =	vst v2  }
0x85: {  	v2 =	vld [tilespmem:s28+$0xFFFFFFE0];
	[tilespmem:s25+$0xFFFFFFC0] =	vst v4  }
0x86: {  	v4 =	vld [tilespmem:s28+$0xFFFFFFF0]  }
0x87: {  	v7 =	vld [tilespmem:s28+$0xFFFFFF90]  }
0x88: {  	v6 =	vld.idx.msk [tilespmem:v6+s3+$0x0], $0xffff  }
0x89: {  	v8 =	vld.idx.msk [tilespmem:v5+s3+$0x0], $0xffff  }
0x8a: {  	v5 =	vld.idx.msk [tilespmem:v3+s3+$0x0], $0xffff  }
.Ltmp2:
0x8b: {  	v3 =	vld.idx.msk [tilespmem:v0+s3+$0x0], $0xffff;
	(pc) =	sbr.rel @p0 .LBB2_6-.Ltmp2, $4  }
0x8c: {  	v0 =	vld.idx.msk [tilespmem:v1+s3+$0x0], $0xffff  }
0x8d: {  	s25 =	sadd.s32 $0x80, s25;
	v1 =	vld.idx.msk [tilespmem:v2+s3+$0x0], $0xffff  }
0x8e: {  	v2 =	vld.idx.msk [tilespmem:v4+s3+$0x0], $0xffff;
	[tilespmem:s25+$0x30] =	vst v6  }
0x8f: {  	s28 =	sadd.s32 $0x80, s28;
	v4 =	vld.idx.msk [tilespmem:v7+s3+$0x0], $0xffff;
	[tilespmem:s25+$0xFFFFFFD0] =	vst v8  }
0x90: {  	[tilespmem:s25+$0xFFFFFFE0] =	vst v5  }
0x91: {  	[tilespmem:s25+$0xFFFFFFF0] =	vst v3  }
0x92: {  	[tilespmem:s25+$0x0] =	vst v0  }
0x93: {  	[tilespmem:s25+$0x10] =	vst v1  }
0x94: {  	[tilespmem:s25+$0x20] =	vst v2  }
0x95: {  	[tilespmem:s25+$0xFFFFFFC0] =	vst v4  }
0x96: {  	[hbm4b:s7+s16] =	stream.strided.scatter [tilespmem:s20], [sflag:$0x3], $0x1000, s17, s16, $0x38;
	[tilespmem:$0x1E700] =	vst v63  }
0x97: {  	_ =	swait.ge [sflag:s23], $0x1000  }
0x98: {  	[sflag:s23] =	ssyncset.done $0x0  }
0x99: {  	s31 =	simm.s32 $0x1B770;
	[sflag:s23] =	ssyncadd.s32 $0xFFFFF000  }
0x9a: {  	v0 =	vld [tilespmem:s31+$0x0]  }
0x9b: {  	v1 =	vld [tilespmem:s31+$0xFFFFFFA0]  }
0x9c: {  	v2 =	vld [tilespmem:s31+$0xFFFFFFB0]  }
0x9d: {  	v3 =	vld [tilespmem:s31+$0xFFFFFFC0]  }
0x9e: {  	v4 =	vld [tilespmem:s31+$0xFFFFFFD0]  }
0x9f: {  	v6 =	vld [tilespmem:s31+$0xFFFFFFE0]  }
0xa0: {  	v7 =	vld [tilespmem:s31+$0xFFFFFFF0]  }
0xa1: {  	v8 =	vld [tilespmem:s31+$0xFFFFFF90]  }
0xa2: {  	v9 =	vld.idx.msk [tilespmem:v0+s3+$0x0], $0xffff  }
0xa3: {  	v10 =	vld.idx.msk [tilespmem:v1+s3+$0x0], $0xffff  }
0xa4: {  	v5 =	vld.idx.msk [tilespmem:v2+s3+$0x0], $0xffff  }
0xa5: {  	v3 =	vld.idx.msk [tilespmem:v3+s3+$0x0], $0xffff  }
0xa6: {  	v0 =	vld.idx.msk [tilespmem:v4+s3+$0x0], $0xffff  }
0xa7: {  	s25 =	simm.s32 $0x1D740;
	v1 =	vld.idx.msk [tilespmem:v6+s3+$0x0], $0xffff  }
0xa8: {  	v2 =	vld.idx.msk [tilespmem:v7+s3+$0x0], $0xffff;
	[tilespmem:s25+$0x30] =	vst v9  }
0xa9: {  	s26 =	simm.s32 $0x0;
	s28 =	simm.s32 $0x1B7F0;
	v4 =	vld.idx.msk [tilespmem:v8+s3+$0x0], $0xffff;
	[tilespmem:s25+$0xFFFFFFD0] =	vst v10  }
.LBB2_8:
0xaa: {  	v6 =	vld [tilespmem:s28+$0x0];
	s26 =	sadd.s32 $0x8, s26;
	[tilespmem:s25+$0xFFFFFFE0] =	vst v5  }
0xab: {  	v5 =	vld [tilespmem:s28+$0xFFFFFFA0];
	p0 =	slt.u32 s26, $0xF8;
	[tilespmem:s25+$0xFFFFFFF0] =	vst v3  }
0xac: {  	v3 =	vld [tilespmem:s28+$0xFFFFFFB0];
	[tilespmem:s25+$0x0] =	vst v0  }
0xad: {  	v0 =	vld [tilespmem:s28+$0xFFFFFFC0];
	[tilespmem:s25+$0x10] =	vst v1  }
0xae: {  	v1 =	vld [tilespmem:s28+$0xFFFFFFD0];
	[tilespmem:s25+$0x20] =	vst v2  }
0xaf: {  	v2 =	vld [tilespmem:s28+$0xFFFFFFE0];
	[tilespmem:s25+$0xFFFFFFC0] =	vst v4  }
0xb0: {  	v4 =	vld [tilespmem:s28+$0xFFFFFFF0]  }
0xb1: {  	v7 =	vld [tilespmem:s28+$0xFFFFFF90]  }
0xb2: {  	v6 =	vld.idx.msk [tilespmem:v6+s3+$0x0], $0xffff  }
0xb3: {  	v8 =	vld.idx.msk [tilespmem:v5+s3+$0x0], $0xffff  }
0xb4: {  	v5 =	vld.idx.msk [tilespmem:v3+s3+$0x0], $0xffff  }
.Ltmp3:
0xb5: {  	v3 =	vld.idx.msk [tilespmem:v0+s3+$0x0], $0xffff;
	(pc) =	sbr.rel @p0 .LBB2_8-.Ltmp3, $4  }
0xb6: {  	v0 =	vld.idx.msk [tilespmem:v1+s3+$0x0], $0xffff  }
0xb7: {  	s25 =	sadd.s32 $0x80, s25;
	v1 =	vld.idx.msk [tilespmem:v2+s3+$0x0], $0xffff  }
0xb8: {  	v2 =	vld.idx.msk [tilespmem:v4+s3+$0x0], $0xffff;
	[tilespmem:s25+$0x30] =	vst v6  }
0xb9: {  	s28 =	sadd.s32 $0x80, s28;
	v4 =	vld.idx.msk [tilespmem:v7+s3+$0x0], $0xffff;
	[tilespmem:s25+$0xFFFFFFD0] =	vst v8  }
0xba: {  	[tilespmem:s25+$0xFFFFFFE0] =	vst v5  }
0xbb: {  	[tilespmem:s25+$0xFFFFFFF0] =	vst v3  }
0xbc: {  	[tilespmem:s25+$0x0] =	vst v0  }
0xbd: {  	[tilespmem:s25+$0x10] =	vst v1  }
0xbe: {  	[tilespmem:s25+$0x20] =	vst v2  }
0xbf: {  	[tilespmem:s25+$0xFFFFFFC0] =	vst v4  }
0xc0: {  	[hbm4b:s8+s16] =	stream.strided.scatter [tilespmem:s21], [sflag:$0x4], $0x1000, s17, s16, $0x38;
	[tilespmem:$0x1E700] =	vst v63  }
0xc1: {  	_ = 	snop  }
0xc2: {  	[tilespmem:s3], [sflag:$0x1] =	stream.strided.gather [hbm4b:s9+s16], $0x18700, s17, s16, $0x38;
	[tilespmem:$0x1E700] =	vst v63  }
0xc3: {  	_ =	swait.ge [sflag:s19], $0x18700  }
0xc4: {  	[sflag:s19] =	ssyncset.done $0x0  }
0xc5: {  	[sflag:s19] =	ssyncadd.s32 $0xFFFE7900  }
0xc6: {  	_ =	swait.ge [sflag:s22], $0x1000  }
0xc7: {  	[sflag:s22] =	ssyncset.done $0x0  }
0xc8: {  	s31 =	simm.s32 $0x18740;
	[sflag:s22] =	ssyncadd.s32 $0xFFFFF000  }
0xc9: {  	v0 =	vld [tilespmem:s31+$0x30]  }
0xca: {  	v1 =	vld [tilespmem:s31+$0xFFFFFFD0]  }
0xcb: {  	v2 =	vld [tilespmem:s31+$0xFFFFFFE0]  }
0xcc: {  	v3 =	vld [tilespmem:s31+$0xFFFFFFF0]  }
0xcd: {  	v4 =	vld [tilespmem:s31+$0x0]  }
0xce: {  	v6 =	vld [tilespmem:s31+$0x10]  }
0xcf: {  	v7 =	vld [tilespmem:s31+$0x20]  }
0xd0: {  	v8 =	vld [tilespmem:s31+$0xFFFFFFC0]  }
0xd1: {  	v9 =	vld.idx.msk [tilespmem:v0+s3+$0x0], $0xffff  }
0xd2: {  	v10 =	vld.idx.msk [tilespmem:v1+s3+$0x0], $0xffff  }
0xd3: {  	v5 =	vld.idx.msk [tilespmem:v2+s3+$0x0], $0xffff  }
0xd4: {  	v3 =	vld.idx.msk [tilespmem:v3+s3+$0x0], $0xffff  }
0xd5: {  	v0 =	vld.idx.msk [tilespmem:v4+s3+$0x0], $0xffff  }
0xd6: {  	s25 =	simm.s32 $0x1C740;
	v1 =	vld.idx.msk [tilespmem:v6+s3+$0x0], $0xffff  }
0xd7: {  	v2 =	vld.idx.msk [tilespmem:v7+s3+$0x0], $0xffff;
	[tilespmem:s25+$0x30] =	vst v9  }
0xd8: {  	s26 =	simm.s32 $0x0;
	s28 =	simm.s32 $0x187C0;
	v4 =	vld.idx.msk [tilespmem:v8+s3+$0x0], $0xffff;
	[tilespmem:s25+$0xFFFFFFD0] =	vst v10  }
.LBB2_10:
0xd9: {  	v6 =	vld [tilespmem:s28+$0x30];
	s26 =	sadd.s32 $0x8, s26;
	[tilespmem:s25+$0xFFFFFFE0] =	vst v5  }
0xda: {  	v5 =	vld [tilespmem:s28+$0xFFFFFFD0];
	p0 =	slt.u32 s26, $0xF8;
	[tilespmem:s25+$0xFFFFFFF0] =	vst v3  }
0xdb: {  	v3 =	vld [tilespmem:s28+$0xFFFFFFE0];
	[tilespmem:s25+$0x0] =	vst v0  }
0xdc: {  	v0 =	vld [tilespmem:s28+$0xFFFFFFF0];
	[tilespmem:s25+$0x10] =	vst v1  }
0xdd: {  	v1 =	vld [tilespmem:s28+$0x0];
	[tilespmem:s25+$0x20] =	vst v2  }
0xde: {  	v2 =	vld [tilespmem:s28+$0x10];
	[tilespmem:s25+$0xFFFFFFC0] =	vst v4  }
0xdf: {  	v4 =	vld [tilespmem:s28+$0x20]  }
0xe0: {  	v7 =	vld [tilespmem:s28+$0xFFFFFFC0]  }
0xe1: {  	v6 =	vld.idx.msk [tilespmem:v6+s3+$0x0], $0xffff  }
0xe2: {  	v8 =	vld.idx.msk [tilespmem:v5+s3+$0x0], $0xffff  }
0xe3: {  	v5 =	vld.idx.msk [tilespmem:v3+s3+$0x0], $0xffff  }
.Ltmp4:
0xe4: {  	v3 =	vld.idx.msk [tilespmem:v0+s3+$0x0], $0xffff;
	(pc) =	sbr.rel @p0 .LBB2_10-.Ltmp4, $4  }
0xe5: {  	v0 =	vld.idx.msk [tilespmem:v1+s3+$0x0], $0xffff  }
0xe6: {  	s25 =	sadd.s32 $0x80, s25;
	v1 =	vld.idx.msk [tilespmem:v2+s3+$0x0], $0xffff  }
0xe7: {  	v2 =	vld.idx.msk [tilespmem:v4+s3+$0x0], $0xffff;
	[tilespmem:s25+$0x30] =	vst v6  }
0xe8: {  	s28 =	sadd.s32 $0x80, s28;
	v4 =	vld.idx.msk [tilespmem:v7+s3+$0x0], $0xffff;
	[tilespmem:s25+$0xFFFFFFD0] =	vst v8  }
0xe9: {  	[tilespmem:s25+$0xFFFFFFE0] =	vst v5  }
0xea: {  	[tilespmem:s25+$0xFFFFFFF0] =	vst v3  }
0xeb: {  	[tilespmem:s25+$0x0] =	vst v0  }
0xec: {  	[tilespmem:s25+$0x10] =	vst v1  }
0xed: {  	[tilespmem:s25+$0x20] =	vst v2  }
0xee: {  	[tilespmem:s25+$0xFFFFFFC0] =	vst v4  }
0xef: {  	[hbm4b:s10+s16] =	stream.strided.scatter [tilespmem:s20], [sflag:$0x3], $0x1000, s17, s16, $0x38;
	[tilespmem:$0x1E700] =	vst v63  }
0xf0: {  	_ =	swait.ge [sflag:s23], $0x1000  }
0xf1: {  	[sflag:s23] =	ssyncset.done $0x0  }
0xf2: {  	s31 =	simm.s32 $0x19770;
	[sflag:s23] =	ssyncadd.s32 $0xFFFFF000  }
0xf3: {  	v0 =	vld [tilespmem:s31+$0x0]  }
0xf4: {  	v1 =	vld [tilespmem:s31+$0xFFFFFFA0]  }
0xf5: {  	v2 =	vld [tilespmem:s31+$0xFFFFFFB0]  }
0xf6: {  	v3 =	vld [tilespmem:s31+$0xFFFFFFC0]  }
0xf7: {  	v4 =	vld [tilespmem:s31+$0xFFFFFFD0]  }
0xf8: {  	v6 =	vld [tilespmem:s31+$0xFFFFFFE0]  }
0xf9: {  	v7 =	vld [tilespmem:s31+$0xFFFFFFF0]  }
0xfa: {  	v8 =	vld [tilespmem:s31+$0xFFFFFF90]  }
0xfb: {  	v9 =	vld.idx.msk [tilespmem:v0+s3+$0x0], $0xffff  }
0xfc: {  	v10 =	vld.idx.msk [tilespmem:v1+s3+$0x0], $0xffff  }
0xfd: {  	v5 =	vld.idx.msk [tilespmem:v2+s3+$0x0], $0xffff  }
0xfe: {  	v3 =	vld.idx.msk [tilespmem:v3+s3+$0x0], $0xffff  }
0xff: {  	v0 =	vld.idx.msk [tilespmem:v4+s3+$0x0], $0xffff  }
0x100: {  	s25 =	simm.s32 $0x1D740;
	v1 =	vld.idx.msk [tilespmem:v6+s3+$0x0], $0xffff  }
0x101: {  	v2 =	vld.idx.msk [tilespmem:v7+s3+$0x0], $0xffff;
	[tilespmem:s25+$0x30] =	vst v9  }
0x102: {  	s26 =	simm.s32 $0x0;
	s28 =	simm.s32 $0x197F0;
	v4 =	vld.idx.msk [tilespmem:v8+s3+$0x0], $0xffff;
	[tilespmem:s25+$0xFFFFFFD0] =	vst v10  }
.LBB2_12:
0x103: {  	v6 =	vld [tilespmem:s28+$0x0];
	s26 =	sadd.s32 $0x8, s26;
	[tilespmem:s25+$0xFFFFFFE0] =	vst v5  }
0x104: {  	v5 =	vld [tilespmem:s28+$0xFFFFFFA0];
	p0 =	slt.u32 s26, $0xF8;
	[tilespmem:s25+$0xFFFFFFF0] =	vst v3  }
0x105: {  	v3 =	vld [tilespmem:s28+$0xFFFFFFB0];
	[tilespmem:s25+$0x0] =	vst v0  }
0x106: {  	v0 =	vld [tilespmem:s28+$0xFFFFFFC0];
	[tilespmem:s25+$0x10] =	vst v1  }
0x107: {  	v1 =	vld [tilespmem:s28+$0xFFFFFFD0];
	[tilespmem:s25+$0x20] =	vst v2  }
0x108: {  	v2 =	vld [tilespmem:s28+$0xFFFFFFE0];
	[tilespmem:s25+$0xFFFFFFC0] =	vst v4  }
0x109: {  	v4 =	vld [tilespmem:s28+$0xFFFFFFF0]  }
0x10a: {  	v7 =	vld [tilespmem:s28+$0xFFFFFF90]  }
0x10b: {  	v6 =	vld.idx.msk [tilespmem:v6+s3+$0x0], $0xffff  }
0x10c: {  	v8 =	vld.idx.msk [tilespmem:v5+s3+$0x0], $0xffff  }
0x10d: {  	v5 =	vld.idx.msk [tilespmem:v3+s3+$0x0], $0xffff  }
.Ltmp5:
0x10e: {  	v3 =	vld.idx.msk [tilespmem:v0+s3+$0x0], $0xffff;
	(pc) =	sbr.rel @p0 .LBB2_12-.Ltmp5, $4  }
0x10f: {  	v0 =	vld.idx.msk [tilespmem:v1+s3+$0x0], $0xffff  }
0x110: {  	s25 =	sadd.s32 $0x80, s25;
	v1 =	vld.idx.msk [tilespmem:v2+s3+$0x0], $0xffff  }
0x111: {  	v2 =	vld.idx.msk [tilespmem:v4+s3+$0x0], $0xffff;
	[tilespmem:s25+$0x30] =	vst v6  }
0x112: {  	s28 =	sadd.s32 $0x80, s28;
	v4 =	vld.idx.msk [tilespmem:v7+s3+$0x0], $0xffff;
	[tilespmem:s25+$0xFFFFFFD0] =	vst v8  }
0x113: {  	[tilespmem:s25+$0xFFFFFFE0] =	vst v5  }
0x114: {  	[tilespmem:s25+$0xFFFFFFF0] =	vst v3  }
0x115: {  	[tilespmem:s25+$0x0] =	vst v0  }
0x116: {  	[tilespmem:s25+$0x10] =	vst v1  }
0x117: {  	[tilespmem:s25+$0x20] =	vst v2  }
0x118: {  	[tilespmem:s25+$0xFFFFFFC0] =	vst v4  }
0x119: {  	[hbm4b:s11+s16] =	stream.strided.scatter [tilespmem:s21], [sflag:$0x4], $0x1000, s17, s16, $0x38;
	[tilespmem:$0x1E700] =	vst v63  }
0x11a: {  	_ =	swait.ge [sflag:s22], $0x1000  }
0x11b: {  	[sflag:s22] =	ssyncset.done $0x0  }
0x11c: {  	s31 =	simm.s32 $0x1A770;
	[sflag:s22] =	ssyncadd.s32 $0xFFFFF000  }
0x11d: {  	v0 =	vld [tilespmem:s31+$0x0]  }
0x11e: {  	v1 =	vld [tilespmem:s31+$0xFFFFFFA0]  }
0x11f: {  	v2 =	vld [tilespmem:s31+$0xFFFFFFB0]  }
0x120: {  	v3 =	vld [tilespmem:s31+$0xFFFFFFC0]  }
0x121: {  	v4 =	vld [tilespmem:s31+$0xFFFFFFD0]  }
0x122: {  	v6 =	vld [tilespmem:s31+$0xFFFFFFE0]  }
0x123: {  	v7 =	vld [tilespmem:s31+$0xFFFFFFF0]  }
0x124: {  	v8 =	vld [tilespmem:s31+$0xFFFFFF90]  }
0x125: {  	v9 =	vld.idx.msk [tilespmem:v0+s3+$0x0], $0xffff  }
0x126: {  	v10 =	vld.idx.msk [tilespmem:v1+s3+$0x0], $0xffff  }
0x127: {  	v5 =	vld.idx.msk [tilespmem:v2+s3+$0x0], $0xffff  }
0x128: {  	v3 =	vld.idx.msk [tilespmem:v3+s3+$0x0], $0xffff  }
0x129: {  	v0 =	vld.idx.msk [tilespmem:v4+s3+$0x0], $0xffff  }
0x12a: {  	s25 =	simm.s32 $0x1C740;
	v1 =	vld.idx.msk [tilespmem:v6+s3+$0x0], $0xffff  }
0x12b: {  	v2 =	vld.idx.msk [tilespmem:v7+s3+$0x0], $0xffff;
	[tilespmem:s25+$0x30] =	vst v9  }
0x12c: {  	s26 =	simm.s32 $0x0;
	s28 =	simm.s32 $0x1A7F0;
	v4 =	vld.idx.msk [tilespmem:v8+s3+$0x0], $0xffff;
	[tilespmem:s25+$0xFFFFFFD0] =	vst v10  }
.LBB2_14:
0x12d: {  	v6 =	vld [tilespmem:s28+$0x0];
	s26 =	sadd.s32 $0x8, s26;
	[tilespmem:s25+$0xFFFFFFE0] =	vst v5  }
0x12e: {  	v5 =	vld [tilespmem:s28+$0xFFFFFFA0];
	p0 =	slt.u32 s26, $0xF8;
	[tilespmem:s25+$0xFFFFFFF0] =	vst v3  }
0x12f: {  	v3 =	vld [tilespmem:s28+$0xFFFFFFB0];
	[tilespmem:s25+$0x0] =	vst v0  }
0x130: {  	v0 =	vld [tilespmem:s28+$0xFFFFFFC0];
	[tilespmem:s25+$0x10] =	vst v1  }
0x131: {  	v1 =	vld [tilespmem:s28+$0xFFFFFFD0];
	[tilespmem:s25+$0x20] =	vst v2  }
0x132: {  	v2 =	vld [tilespmem:s28+$0xFFFFFFE0];
	[tilespmem:s25+$0xFFFFFFC0] =	vst v4  }
0x133: {  	v4 =	vld [tilespmem:s28+$0xFFFFFFF0]  }
0x134: {  	v7 =	vld [tilespmem:s28+$0xFFFFFF90]  }
0x135: {  	v6 =	vld.idx.msk [tilespmem:v6+s3+$0x0], $0xffff  }
0x136: {  	v8 =	vld.idx.msk [tilespmem:v5+s3+$0x0], $0xffff  }
0x137: {  	v5 =	vld.idx.msk [tilespmem:v3+s3+$0x0], $0xffff  }
.Ltmp6:
0x138: {  	v3 =	vld.idx.msk [tilespmem:v0+s3+$0x0], $0xffff;
	(pc) =	sbr.rel @p0 .LBB2_14-.Ltmp6, $4  }
0x139: {  	v0 =	vld.idx.msk [tilespmem:v1+s3+$0x0], $0xffff  }
0x13a: {  	s25 =	sadd.s32 $0x80, s25;
	v1 =	vld.idx.msk [tilespmem:v2+s3+$0x0], $0xffff  }
0x13b: {  	v2 =	vld.idx.msk [tilespmem:v4+s3+$0x0], $0xffff;
	[tilespmem:s25+$0x30] =	vst v6  }
0x13c: {  	s28 =	sadd.s32 $0x80, s28;
	v4 =	vld.idx.msk [tilespmem:v7+s3+$0x0], $0xffff;
	[tilespmem:s25+$0xFFFFFFD0] =	vst v8  }
0x13d: {  	[tilespmem:s25+$0xFFFFFFE0] =	vst v5  }
0x13e: {  	[tilespmem:s25+$0xFFFFFFF0] =	vst v3  }
0x13f: {  	[tilespmem:s25+$0x0] =	vst v0  }
0x140: {  	[tilespmem:s25+$0x10] =	vst v1  }
0x141: {  	[tilespmem:s25+$0x20] =	vst v2  }
0x142: {  	[tilespmem:s25+$0xFFFFFFC0] =	vst v4  }
0x143: {  	[hbm4b:s12+s16] =	stream.strided.scatter [tilespmem:s20], [sflag:$0x3], $0x1000, s17, s16, $0x38;
	[tilespmem:$0x1E700] =	vst v63  }
0x144: {  	_ =	swait.ge [sflag:s23], $0x1000  }
0x145: {  	[sflag:s23] =	ssyncset.done $0x0  }
0x146: {  	s31 =	simm.s32 $0x1B770;
	[sflag:s23] =	ssyncadd.s32 $0xFFFFF000  }
0x147: {  	v0 =	vld [tilespmem:s31+$0x0]  }
0x148: {  	v1 =	vld [tilespmem:s31+$0xFFFFFFA0]  }
0x149: {  	v2 =	vld [tilespmem:s31+$0xFFFFFFB0]  }
0x14a: {  	v3 =	vld [tilespmem:s31+$0xFFFFFFC0]  }
0x14b: {  	v4 =	vld [tilespmem:s31+$0xFFFFFFD0]  }
0x14c: {  	v6 =	vld [tilespmem:s31+$0xFFFFFFE0]  }
0x14d: {  	v7 =	vld [tilespmem:s31+$0xFFFFFFF0]  }
0x14e: {  	v8 =	vld [tilespmem:s31+$0xFFFFFF90]  }
0x14f: {  	v9 =	vld.idx.msk [tilespmem:v0+s3+$0x0], $0xffff  }
0x150: {  	v10 =	vld.idx.msk [tilespmem:v1+s3+$0x0], $0xffff  }
0x151: {  	v5 =	vld.idx.msk [tilespmem:v2+s3+$0x0], $0xffff  }
0x152: {  	v3 =	vld.idx.msk [tilespmem:v3+s3+$0x0], $0xffff  }
0x153: {  	v0 =	vld.idx.msk [tilespmem:v4+s3+$0x0], $0xffff  }
0x154: {  	s25 =	simm.s32 $0x1D740;
	v1 =	vld.idx.msk [tilespmem:v6+s3+$0x0], $0xffff  }
0x155: {  	v2 =	vld.idx.msk [tilespmem:v7+s3+$0x0], $0xffff;
	[tilespmem:s25+$0x30] =	vst v9  }
0x156: {  	s26 =	simm.s32 $0x0;
	s28 =	simm.s32 $0x1B7F0;
	v4 =	vld.idx.msk [tilespmem:v8+s3+$0x0], $0xffff;
	[tilespmem:s25+$0xFFFFFFD0] =	vst v10  }
.LBB2_16:
0x157: {  	v6 =	vld [tilespmem:s28+$0x0];
	s26 =	sadd.s32 $0x8, s26;
	[tilespmem:s25+$0xFFFFFFE0] =	vst v5  }
0x158: {  	v5 =	vld [tilespmem:s28+$0xFFFFFFA0];
	p0 =	slt.u32 s26, $0xF8;
	[tilespmem:s25+$0xFFFFFFF0] =	vst v3  }
0x159: {  	v3 =	vld [tilespmem:s28+$0xFFFFFFB0];
	[tilespmem:s25+$0x0] =	vst v0  }
0x15a: {  	v0 =	vld [tilespmem:s28+$0xFFFFFFC0];
	[tilespmem:s25+$0x10] =	vst v1  }
0x15b: {  	v1 =	vld [tilespmem:s28+$0xFFFFFFD0];
	[tilespmem:s25+$0x20] =	vst v2  }
0x15c: {  	v2 =	vld [tilespmem:s28+$0xFFFFFFE0];
	[tilespmem:s25+$0xFFFFFFC0] =	vst v4  }
0x15d: {  	v4 =	vld [tilespmem:s28+$0xFFFFFFF0]  }
0x15e: {  	v7 =	vld [tilespmem:s28+$0xFFFFFF90]  }
0x15f: {  	v6 =	vld.idx.msk [tilespmem:v6+s3+$0x0], $0xffff  }
0x160: {  	v8 =	vld.idx.msk [tilespmem:v5+s3+$0x0], $0xffff  }
0x161: {  	v5 =	vld.idx.msk [tilespmem:v3+s3+$0x0], $0xffff  }
.Ltmp7:
0x162: {  	v3 =	vld.idx.msk [tilespmem:v0+s3+$0x0], $0xffff;
	(pc) =	sbr.rel @p0 .LBB2_16-.Ltmp7, $4  }
0x163: {  	v0 =	vld.idx.msk [tilespmem:v1+s3+$0x0], $0xffff  }
0x164: {  	s25 =	sadd.s32 $0x80, s25;
	v1 =	vld.idx.msk [tilespmem:v2+s3+$0x0], $0xffff  }
0x165: {  	v2 =	vld.idx.msk [tilespmem:v4+s3+$0x0], $0xffff;
	[tilespmem:s25+$0x30] =	vst v6  }
0x166: {  	s28 =	sadd.s32 $0x80, s28;
	v4 =	vld.idx.msk [tilespmem:v7+s3+$0x0], $0xffff;
	[tilespmem:s25+$0xFFFFFFD0] =	vst v8  }
0x167: {  	[tilespmem:s25+$0xFFFFFFE0] =	vst v5  }
0x168: {  	[tilespmem:s25+$0xFFFFFFF0] =	vst v3  }
0x169: {  	[tilespmem:s25+$0x0] =	vst v0  }
0x16a: {  	[tilespmem:s25+$0x10] =	vst v1  }
0x16b: {  	[tilespmem:s25+$0x20] =	vst v2  }
0x16c: {  	s24 =	sadd.s32 $0x1, s24;
	[tilespmem:s25+$0xFFFFFFC0] =	vst v4  }
0x16d: {  	[hbm4b:s13+s16] =	stream.strided.scatter [tilespmem:s21], [sflag:$0x4], $0x1000, s17, s16, $0x38;
	[tilespmem:$0x1E700] =	vst v63  }
0x16e: {  	p0 =	sne.s32 s24, s14;
	_ =	swait.ge [sflag:s22], $0x1000  }
.Ltmp8:
0x16f: {  	[sflag:s22] =	ssyncset.done $0x0;
	(pc) =	sbr.rel @p0 .LBB2_1-.Ltmp8, $4  }
0x170: {  	[sflag:s22] =	ssyncadd.s32 $0xFFFFF000  }
0x171: {  	_ =	swait.ge [sflag:s23], $0x1000  }
0x172: {  	[sflag:s23] =	ssyncset.done $0x0  }
0x173: {  	[sflag:s23] =	ssyncadd.s32 $0xFFFFF000  }
0x174: {  	_ =	sfence.sel $0x180000  }
0x175: {  	[bflag:$0x0] =	sbarrier.arrive $0xFFFF  }
0x176: {  	p0 =	sne.s32 s2, $0x0;
	_ =	strace $0x90000047  }
0x177: {  	s0 =	sadd.s32 @!p0 $0x100000, s0;
	[bflag:$0x2] =	sbarrier.arrive $0xFFFF  }
0x178: {  	[sflag:s0] =	ssyncadd.tile.s32 @!p0 $0x1;
	_ =	shalt  }
.Lfunc_end2:
_tile_overlayer_lowered:
.L_overlay_start_2:
0x179: {  	(tag) =	ssettag $0x2  }
0x17a: {  	s0 =	rddreg [dreg:$0x0];
	s2 =	stileid.u32  }
0x17b: {  	s1 =	rddreg [dreg:$0x1];
	p0 =	sne.s32 s2, $0x0  }
0x17c: {  	s3 =	rddreg [dreg:$0x2];
	[bflag:$0x3] =	sbarrier.arrive $0xFFFF;
	s2 =	simm.s32 @!p0 $0x1C05  }
0x17d: {  	[timem:s3], [sflag:s2] =	dma.local @!p0 [hbm:s0], s1  }
0x17e: {  	s0 =	simm.s32 @!p0 $0x5  }
0x17f: {  	_ =	swait.ge @!p0 [sflag:s0], s1  }
0x180: {  	s1 =	ssub.s32 @!p0 $0x0, s1;
	[sflag:s0] =	ssyncset.done @!p0 $0x0  }
0x181: {  	[sflag:s0] =	ssyncadd.s32 @!p0 s1  }
0x182: {  	[bflag:$0x3] =	sbarrier.arrive $0xFFFF  }
0x183: {  	_ =	shalt  }

</sc_bundles>
